<compile_context>
chip_gen: v7x
topology: tpu7x:2x2x1
jax: 0.10.2.dev20260603
libtpu: 0.0.44.dev20260713+nightly
codegen_flags: <defaults>
</compile_context>

<pallas_src>
import functools

import jax
import jax.numpy as jnp
from jax import lax
from jax.experimental import pallas as pl
from jax.experimental.pallas import tpu as pltpu
from jax.experimental.pallas import tpu_sc as plsc

_KEEP_RATIO = 0.7

_NC = 2
_NS = 16
_L = 16
_NW = _NC * _NS


def _sc_target_gather(x_flat_hbm, tgt_hbm, out_hbm, tgt_v, flat_v, tl_v, sem,
                      *, batch, ncls):
    b_per_w = batch // _NW
    nvec = b_per_w // _L
    nchunk = b_per_w // 128
    wid = lax.axis_index("s") * _NC + lax.axis_index("c")
    base = wid * b_per_w

    pltpu.sync_copy(tgt_hbm.at[pl.ds(base, b_per_w)], tgt_v)

    lane = lax.iota(jnp.int32, _L)
    for j in range(nvec):
        sl = pl.ds(j * _L, _L)
        flat_v[0, sl] = (base + j * _L + lane) * ncls + tgt_v[sl]

    for k in range(nchunk):
        pltpu.async_copy(
            x_flat_hbm.at[flat_v.at[0, pl.ds(k * 128, 128)]],
            tl_v.at[pl.ds(k * 128, 128)],
            sem,
        )
    for k in range(nchunk):
        pltpu.make_async_copy(
            x_flat_hbm.at[flat_v.at[0, pl.ds(k * 128, 128)]],
            tl_v.at[pl.ds(k * 128, 128)],
            sem,
        ).wait()

    pltpu.sync_copy(tl_v, out_hbm.at[pl.ds(base, b_per_w)])


def _tc_stream(x_ref, lse_ref, *, nblocks):
    x = x_ref[...]
    m = jnp.max(x, axis=1, keepdims=True)
    s = jnp.sum(jnp.exp(x - m), axis=1)
    lse_ref[0, 0, :] = m[:, 0] + jnp.log(s)


def _tc_select(lse_ref, tl_ref, out_ref, *, rank):
    ce_all = (lse_ref[...] - tl_ref[...]) + 0.0

    def _select():
        int_min = jnp.int32(-2147483648)
        u = lax.bitcast_convert_type(ce_all, jnp.int32)
        keys = jnp.where(u < 0, u ^ jnp.int32(0x7FFFFFFF), u)

        def body(b, p):
            bit = lax.shift_left(jnp.int32(1), jnp.int32(31) - b)
            cand = p | bit
            cand_cmp = cand ^ int_min
            cnt = jnp.sum((keys < cand_cmp).astype(jnp.int32))
            return jnp.where(cnt <= rank, cand, p)

        p = lax.fori_loop(0, 32, body, jnp.int32(0))
        thr_key = p ^ int_min

        mask = (keys >= thr_key).astype(jnp.float32)
        kept_sum = jnp.sum(ce_all * mask)
        kept_cnt = jnp.sum(mask)
        out_ref[0, 0] = kept_sum / (kept_cnt + 1e-8)

    _select()


def kernel(inputs, targets):
    batch, ncls = inputs.shape
    block_rows = 2048
    nblocks = batch // block_rows
    num_keep = int(batch * _KEEP_RATIO)
    rank = batch - num_keep
    b_per_w = batch // _NW

    x_flat = inputs.reshape(batch * ncls)
    tgt = targets.astype(jnp.int32)

    sc_gather = pl.kernel(
        functools.partial(_sc_target_gather, batch=batch, ncls=ncls),
        out_type=jax.ShapeDtypeStruct((batch,), jnp.float32),
        mesh=plsc.VectorSubcoreMesh(core_axis_name="c", subcore_axis_name="s"),
        scratch_types=[
            pltpu.VMEM((b_per_w,), jnp.int32),
            pltpu.VMEM((1, b_per_w), jnp.int32),
            pltpu.VMEM((b_per_w,), jnp.float32),
            pltpu.SemaphoreType.DMA,
        ],
    )
    tl = sc_gather(x_flat, tgt)

    lse = pl.pallas_call(
        functools.partial(_tc_stream, nblocks=nblocks),
        grid=(nblocks,),
        in_specs=[pl.BlockSpec((block_rows, ncls), lambda i: (i, 0))],
        out_specs=pl.BlockSpec((1, 1, block_rows), lambda i: (i, 0, 0)),
        out_shape=jax.ShapeDtypeStruct((nblocks, 1, block_rows), jnp.float32),
    )(inputs)

    out = pl.pallas_call(
        functools.partial(_tc_select, rank=rank),
        in_specs=[
            pl.BlockSpec((nblocks, 1, block_rows), lambda: (0, 0, 0)),
            pl.BlockSpec((nblocks, 1, block_rows), lambda: (0, 0, 0)),
        ],
        out_specs=pl.BlockSpec(memory_space=pltpu.SMEM),
        out_shape=jax.ShapeDtypeStruct((1, 1), jnp.float32),
    )(lse, tl.reshape(nblocks, 1, block_rows))
    return out[0, 0]

# --- scband reference (transcript-rebuilt; emitter-appended) ---
"""Pipeline reference for scband-online-hard-example-mining-42666205118893 (READ-ONLY COPY).

The authoritative reference and input builder live on the scoring server;
editing this copy changes nothing except your own understanding.
"""

import jax, jax.numpy as jnp
import numpy as np

KEEP_RATIO = 0.7
BATCH = 16384
NUM_CLASSES = 1000

def setup_inputs(seed: int = 0) -> dict:
    key = jax.random.key(seed)
    k1, k2 = jax.random.split(key)
    inputs = jax.random.normal(k1, (BATCH, NUM_CLASSES), dtype=jnp.float32)
    targets = jax.random.randint(k2, (BATCH,), 0, NUM_CLASSES, dtype=jnp.int64 if jax.config.jax_enable_x64 else jnp.int32)
    return {"inputs": inputs, "targets": targets}

def reference(inputs, targets):
    batch_size = inputs.shape[0]
    # cross_entropy with reduction='none'
    log_probs = jax.nn.log_softmax(inputs, axis=-1)
    ce_loss = -jnp.take_along_axis(log_probs, targets[:, None].astype(jnp.int32), axis=1)[:, 0]
    num_keep = int(batch_size * KEEP_RATIO)
    # torch.sort(ce_loss, descending=True)
    sorted_loss = jnp.sort(ce_loss)[::-1]
    threshold = sorted_loss[num_keep - 1]
    mask = (ce_loss >= threshold).astype(jnp.float32)
    loss = (ce_loss * mask).sum() / (mask.sum() + 1e-08)
    return loss

if __name__ == "__main__":
    import jax
    _d = setup_inputs()
    print(jax.jit(kernel)(*tuple(_d.values())))

</pallas_src>

<mosaic_0001>
#map = affine_map<(d0, d1) -> (0)>
module attributes {stable_mosaic.version = 14 : i64} {
  func.func @_sc_target_gather(%arg0: i32, %arg1: i32, %arg2: memref<16384000xf32, #tpu.memory_space<hbm>>, %arg3: memref<16384xi32, #tpu.memory_space<hbm>>, %arg4: memref<16384xf32, #tpu.memory_space<hbm>>, %arg5: memref<512xi32, #tpu.memory_space<vmem>>, %arg6: memref<1x512xi32, #tpu.memory_space<vmem>>, %arg7: memref<512xf32, #tpu.memory_space<vmem>>, %arg8: memref<!tpu.dma_semaphore, #tpu.memory_space<semaphore_mem>>) attributes {dimension_semantics = [#tpu.dimension_semantics<core_parallel>, #tpu.dimension_semantics<subcore_parallel>], iteration_bounds = array<i64: 2, 16>, scalar_prefetch = 0 : i64, scratch_operands = 4 : i64, tpu.core_type = #tpu.core_type<sc_vector_subcore>, window_params = [{transform_indices = #map}, {transform_indices = #map}, {transform_indices = #map}]} {
    %mul3A = arith.constant 2 : i32
    %mul3A_0 = arith.muli %arg1, %mul3A : i32
    %add3A = arith.addi %mul3A_0, %arg0 : i32
    %mul3A_1 = arith.constant 512 : i32
    %mul3A_2 = arith.muli %add3A, %mul3A_1 : i32
    "tpu.region"() ({
      %run_scoped3A = tpu.sem_alloc : memref<!tpu.dma_semaphore, #tpu.memory_space<semaphore_mem>>
      %dma_start3A_607 = tpu.memref_slice %arg3[%mul3A_2] : memref<16384xi32, #tpu.memory_space<hbm>> -> memref<512xi32, #tpu.memory_space<hbm>>
      %dma_start3A_608 = tpu.memref_slice %arg3[%mul3A_2] : memref<16384xi32, #tpu.memory_space<hbm>> -> memref<512xi32, #tpu.memory_space<hbm>>
      tpu.enqueue_dma source(%dma_start3A_608 : memref<512xi32, #tpu.memory_space<hbm>>) target(%arg5 : memref<512xi32, #tpu.memory_space<vmem>>) target_semaphore(%run_scoped3A : memref<!tpu.dma_semaphore, #tpu.memory_space<semaphore_mem>>)
      %dma_wait3A_609 = tpu.memref_slice %arg3[%mul3A_2] : memref<16384xi32, #tpu.memory_space<hbm>> -> memref<512xi32, #tpu.memory_space<hbm>>
      %dma_wait3A_610 = tpu.memref_slice %arg3[%mul3A_2] : memref<16384xi32, #tpu.memory_space<hbm>> -> memref<512xi32, #tpu.memory_space<hbm>>
      tpu.wait_dma2 semaphore(%run_scoped3A : memref<!tpu.dma_semaphore, #tpu.memory_space<semaphore_mem>>) src(%dma_wait3A_610 : memref<512xi32, #tpu.memory_space<hbm>>) dst(%arg5 : memref<512xi32, #tpu.memory_space<vmem>>)
      tpu.yield
    }) : () -> ()
    %iota3A = tpu.iota {dimensions = array<i32: 0>} : vector<16xi32>
    %add3A_3 = arith.constant 0 : i32
    %add3A_4 = arith.addi %mul3A_2, %add3A_3 : i32
    %add3A_5 = vector.broadcast %add3A_4 : i32 to vector<16xi32>
    %add3A_6 = arith.addi %add3A_5, %iota3A : vector<16xi32>
    %mul3A_7 = arith.constant 1000 : i32
    %mul3A_8 = vector.broadcast %mul3A_7 : i32 to vector<16xi32>
    %mul3A_9 = arith.muli %add3A_6, %mul3A_8 : vector<16xi32>
    %get3A = arith.constant 0 : index
    %get3A_10 = tpu.vector_load %arg5[%get3A] {strides = array<i32>} : memref<512xi32, #tpu.memory_space<vmem>>, vector<16xi32>,
    %get3A_11 = vector.shape_cast %get3A_10 : vector<16xi32> to vector<16xi32>
    %add3A_12 = arith.addi %mul3A_9, %get3A_11 : vector<16xi32>
    %swap3A = arith.constant 0 : i32
    %swap3A_13 = arith.index_cast %swap3A : i32 to index
    %swap3A_14 = arith.constant 0 : index
    %swap3A_15 = tpu.vector_load %arg6[%swap3A_13, %swap3A_14] {strides = array<i32>} : memref<1x512xi32, #tpu.memory_space<vmem>>, vector<1x16xi32>,
    %swap3A_16 = vector.shape_cast %swap3A_15 : vector<1x16xi32> to vector<16xi32>
    %swap3A_17 = vector.shape_cast %add3A_12 : vector<16xi32> to vector<1x16xi32>
    tpu.vector_store %arg6[%swap3A_13, %swap3A_14], %swap3A_17 {strides = array<i32>} : memref<1x512xi32, #tpu.memory_space<vmem>>, vector<1x16xi32>,
    %add3A_18 = arith.constant 16 : i32
    %add3A_19 = arith.addi %mul3A_2, %add3A_18 : i32
    %add3A_20 = vector.broadcast %add3A_19 : i32 to vector<16xi32>
    %add3A_21 = arith.addi %add3A_20, %iota3A : vector<16xi32>
    %mul3A_22 = arith.constant 1000 : i32
    %mul3A_23 = vector.broadcast %mul3A_22 : i32 to vector<16xi32>
    %mul3A_24 = arith.muli %add3A_21, %mul3A_23 : vector<16xi32>
    %get3A_25 = arith.constant 16 : index
    %get3A_26 = tpu.vector_load %arg5[%get3A_25] {strides = array<i32>} : memref<512xi32, #tpu.memory_space<vmem>>, vector<16xi32>,
    %get3A_27 = vector.shape_cast %get3A_26 : vector<16xi32> to vector<16xi32>
    %add3A_28 = arith.addi %mul3A_24, %get3A_27 : vector<16xi32>
    %swap3A_29 = arith.constant 0 : i32
    %swap3A_30 = arith.index_cast %swap3A_29 : i32 to index
    %swap3A_31 = arith.constant 16 : index
    %swap3A_32 = tpu.vector_load %arg6[%swap3A_30, %swap3A_31] {strides = array<i32>} : memref<1x512xi32, #tpu.memory_space<vmem>>, vector<1x16xi32>,
    %swap3A_33 = vector.shape_cast %swap3A_32 : vector<1x16xi32> to vector<16xi32>
    %swap3A_34 = vector.shape_cast %add3A_28 : vector<16xi32> to vector<1x16xi32>
    tpu.vector_store %arg6[%swap3A_30, %swap3A_31], %swap3A_34 {strides = array<i32>} : memref<1x512xi32, #tpu.memory_space<vmem>>, vector<1x16xi32>,
    %add3A_35 = arith.constant 32 : i32
    %add3A_36 = arith.addi %mul3A_2, %add3A_35 : i32
    %add3A_37 = vector.broadcast %add3A_36 : i32 to vector<16xi32>
    %add3A_38 = arith.addi %add3A_37, %iota3A : vector<16xi32>
    %mul3A_39 = arith.constant 1000 : i32
    %mul3A_40 = vector.broadcast %mul3A_39 : i32 to vector<16xi32>
    %mul3A_41 = arith.muli %add3A_38, %mul3A_40 : vector<16xi32>
    %get3A_42 = arith.constant 32 : index
    %get3A_43 = tpu.vector_load %arg5[%get3A_42] {strides = array<i32>} : memref<512xi32, #tpu.memory_space<vmem>>, vector<16xi32>,
    %get3A_44 = vector.shape_cast %get3A_43 : vector<16xi32> to vector<16xi32>
    %add3A_45 = arith.addi %mul3A_41, %get3A_44 : vector<16xi32>
    %swap3A_46 = arith.constant 0 : i32
    %swap3A_47 = arith.index_cast %swap3A_46 : i32 to index
    %swap3A_48 = arith.constant 32 : index
    %swap3A_49 = tpu.vector_load %arg6[%swap3A_47, %swap3A_48] {strides = array<i32>} : memref<1x512xi32, #tpu.memory_space<vmem>>, vector<1x16xi32>,
    %swap3A_50 = vector.shape_cast %swap3A_49 : vector<1x16xi32> to vector<16xi32>
    %swap3A_51 = vector.shape_cast %add3A_45 : vector<16xi32> to vector<1x16xi32>
    tpu.vector_store %arg6[%swap3A_47, %swap3A_48], %swap3A_51 {strides = array<i32>} : memref<1x512xi32, #tpu.memory_space<vmem>>, vector<1x16xi32>,
    %add3A_52 = arith.constant 48 : i32
    %add3A_53 = arith.addi %mul3A_2, %add3A_52 : i32
    %add3A_54 = vector.broadcast %add3A_53 : i32 to vector<16xi32>
    %add3A_55 = arith.addi %add3A_54, %iota3A : vector<16xi32>
    %mul3A_56 = arith.constant 1000 : i32
    %mul3A_57 = vector.broadcast %mul3A_56 : i32 to vector<16xi32>
    %mul3A_58 = arith.muli %add3A_55, %mul3A_57 : vector<16xi32>
    %get3A_59 = arith.constant 48 : index
    %get3A_60 = tpu.vector_load %arg5[%get3A_59] {strides = array<i32>} : memref<512xi32, #tpu.memory_space<vmem>>, vector<16xi32>,
    %get3A_61 = vector.shape_cast %get3A_60 : vector<16xi32> to vector<16xi32>
    %add3A_62 = arith.addi %mul3A_58, %get3A_61 : vector<16xi32>
    %swap3A_63 = arith.constant 0 : i32
    %swap3A_64 = arith.index_cast %swap3A_63 : i32 to index
    %swap3A_65 = arith.constant 48 : index
    %swap3A_66 = tpu.vector_load %arg6[%swap3A_64, %swap3A_65] {strides = array<i32>} : memref<1x512xi32, #tpu.memory_space<vmem>>, vector<1x16xi32>,
    %swap3A_67 = vector.shape_cast %swap3A_66 : vector<1x16xi32> to vector<16xi32>
    %swap3A_68 = vector.shape_cast %add3A_62 : vector<16xi32> to vector<1x16xi32>
    tpu.vector_store %arg6[%swap3A_64, %swap3A_65], %swap3A_68 {strides = array<i32>} : memref<1x512xi32, #tpu.memory_space<vmem>>, vector<1x16xi32>,
    %add3A_69 = arith.constant 64 : i32
    %add3A_70 = arith.addi %mul3A_2, %add3A_69 : i32
    %add3A_71 = vector.broadcast %add3A_70 : i32 to vector<16xi32>
    %add3A_72 = arith.addi %add3A_71, %iota3A : vector<16xi32>
    %mul3A_73 = arith.constant 1000 : i32
    %mul3A_74 = vector.broadcast %mul3A_73 : i32 to vector<16xi32>
    %mul3A_75 = arith.muli %add3A_72, %mul3A_74 : vector<16xi32>
    %get3A_76 = arith.constant 64 : index
    %get3A_77 = tpu.vector_load %arg5[%get3A_76] {strides = array<i32>} : memref<512xi32, #tpu.memory_space<vmem>>, vector<16xi32>,
    %get3A_78 = vector.shape_cast %get3A_77 : vector<16xi32> to vector<16xi32>
    %add3A_79 = arith.addi %mul3A_75, %get3A_78 : vector<16xi32>
    %swap3A_80 = arith.constant 0 : i32
    %swap3A_81 = arith.index_cast %swap3A_80 : i32 to index
    %swap3A_82 = arith.constant 64 : index
    %swap3A_83 = tpu.vector_load %arg6[%swap3A_81, %swap3A_82] {strides = array<i32>} : memref<1x512xi32, #tpu.memory_space<vmem>>, vector<1x16xi32>,
    %swap3A_84 = vector.shape_cast %swap3A_83 : vector<1x16xi32> to vector<16xi32>
    %swap3A_85 = vector.shape_cast %add3A_79 : vector<16xi32> to vector<1x16xi32>
    tpu.vector_store %arg6[%swap3A_81, %swap3A_82], %swap3A_85 {strides = array<i32>} : memref<1x512xi32, #tpu.memory_space<vmem>>, vector<1x16xi32>,
    %add3A_86 = arith.constant 80 : i32
    %add3A_87 = arith.addi %mul3A_2, %add3A_86 : i32
    %add3A_88 = vector.broadcast %add3A_87 : i32 to vector<16xi32>
    %add3A_89 = arith.addi %add3A_88, %iota3A : vector<16xi32>
    %mul3A_90 = arith.constant 1000 : i32
    %mul3A_91 = vector.broadcast %mul3A_90 : i32 to vector<16xi32>
    %mul3A_92 = arith.muli %add3A_89, %mul3A_91 : vector<16xi32>
    %get3A_93 = arith.constant 80 : index
    %get3A_94 = tpu.vector_load %arg5[%get3A_93] {strides = array<i32>} : memref<512xi32, #tpu.memory_space<vmem>>, vector<16xi32>,
    %get3A_95 = vector.shape_cast %get3A_94 : vector<16xi32> to vector<16xi32>
    %add3A_96 = arith.addi %mul3A_92, %get3A_95 : vector<16xi32>
    %swap3A_97 = arith.constant 0 : i32
    %swap3A_98 = arith.index_cast %swap3A_97 : i32 to index
    %swap3A_99 = arith.constant 80 : index
    %swap3A_100 = tpu.vector_load %arg6[%swap3A_98, %swap3A_99] {strides = array<i32>} : memref<1x512xi32, #tpu.memory_space<vmem>>, vector<1x16xi32>,
    %swap3A_101 = vector.shape_cast %swap3A_100 : vector<1x16xi32> to vector<16xi32>
    %swap3A_102 = vector.shape_cast %add3A_96 : vector<16xi32> to vector<1x16xi32>
    tpu.vector_store %arg6[%swap3A_98, %swap3A_99], %swap3A_102 {strides = array<i32>} : memref<1x512xi32, #tpu.memory_space<vmem>>, vector<1x16xi32>,
    %add3A_103 = arith.constant 96 : i32
    %add3A_104 = arith.addi %mul3A_2, %add3A_103 : i32
    %add3A_105 = vector.broadcast %add3A_104 : i32 to vector<16xi32>
    %add3A_106 = arith.addi %add3A_105, %iota3A : vector<16xi32>
    %mul3A_107 = arith.constant 1000 : i32
    %mul3A_108 = vector.broadcast %mul3A_107 : i32 to vector<16xi32>
    %mul3A_109 = arith.muli %add3A_106, %mul3A_108 : vector<16xi32>
    %get3A_110 = arith.constant 96 : index
    %get3A_111 = tpu.vector_load %arg5[%get3A_110] {strides = array<i32>} : memref<512xi32, #tpu.memory_space<vmem>>, vector<16xi32>,
    %get3A_112 = vector.shape_cast %get3A_111 : vector<16xi32> to vector<16xi32>
    %add3A_113 = arith.addi %mul3A_109, %get3A_112 : vector<16xi32>
    %swap3A_114 = arith.constant 0 : i32
    %swap3A_115 = arith.index_cast %swap3A_114 : i32 to index
    %swap3A_116 = arith.constant 96 : index
    %swap3A_117 = tpu.vector_load %arg6[%swap3A_115, %swap3A_116] {strides = array<i32>} : memref<1x512xi32, #tpu.memory_space<vmem>>, vector<1x16xi32>,
    %swap3A_118 = vector.shape_cast %swap3A_117 : vector<1x16xi32> to vector<16xi32>
    %swap3A_119 = vector.shape_cast %add3A_113 : vector<16xi32> to vector<1x16xi32>
    tpu.vector_store %arg6[%swap3A_115, %swap3A_116], %swap3A_119 {strides = array<i32>} : memref<1x512xi32, #tpu.memory_space<vmem>>, vector<1x16xi32>,
    %add3A_120 = arith.constant 112 : i32
    %add3A_121 = arith.addi %mul3A_2, %add3A_120 : i32
    %add3A_122 = vector.broadcast %add3A_121 : i32 to vector<16xi32>
    %add3A_123 = arith.addi %add3A_122, %iota3A : vector<16xi32>
    %mul3A_124 = arith.constant 1000 : i32
    %mul3A_125 = vector.broadcast %mul3A_124 : i32 to vector<16xi32>
    %mul3A_126 = arith.muli %add3A_123, %mul3A_125 : vector<16xi32>
    %get3A_127 = arith.constant 112 : index
    %get3A_128 = tpu.vector_load %arg5[%get3A_127] {strides = array<i32>} : memref<512xi32, #tpu.memory_space<vmem>>, vector<16xi32>,
    %get3A_129 = vector.shape_cast %get3A_128 : vector<16xi32> to vector<16xi32>
    %add3A_130 = arith.addi %mul3A_126, %get3A_129 : vector<16xi32>
    %swap3A_131 = arith.constant 0 : i32
    %swap3A_132 = arith.index_cast %swap3A_131 : i32 to index
    %swap3A_133 = arith.constant 112 : index
    %swap3A_134 = tpu.vector_load %arg6[%swap3A_132, %swap3A_133] {strides = array<i32>} : memref<1x512xi32, #tpu.memory_space<vmem>>, vector<1x16xi32>,
    %swap3A_135 = vector.shape_cast %swap3A_134 : vector<1x16xi32> to vector<16xi32>
    %swap3A_136 = vector.shape_cast %add3A_130 : vector<16xi32> to vector<1x16xi32>
    tpu.vector_store %arg6[%swap3A_132, %swap3A_133], %swap3A_136 {strides = array<i32>} : memref<1x512xi32, #tpu.memory_space<vmem>>, vector<1x16xi32>,
    %add3A_137 = arith.constant 128 : i32
    %add3A_138 = arith.addi %mul3A_2, %add3A_137 : i32
    %add3A_139 = vector.broadcast %add3A_138 : i32 to vector<16xi32>
    %add3A_140 = arith.addi %add3A_139, %iota3A : vector<16xi32>
    %mul3A_141 = arith.constant 1000 : i32
    %mul3A_142 = vector.broadcast %mul3A_141 : i32 to vector<16xi32>
    %mul3A_143 = arith.muli %add3A_140, %mul3A_142 : vector<16xi32>
    %get3A_144 = arith.constant 128 : index
    %get3A_145 = tpu.vector_load %arg5[%get3A_144] {strides = array<i32>} : memref<512xi32, #tpu.memory_space<vmem>>, vector<16xi32>,
    %get3A_146 = vector.shape_cast %get3A_145 : vector<16xi32> to vector<16xi32>
    %add3A_147 = arith.addi %mul3A_143, %get3A_146 : vector<16xi32>
    %swap3A_148 = arith.constant 0 : i32
    %swap3A_149 = arith.index_cast %swap3A_148 : i32 to index
    %swap3A_150 = arith.constant 128 : index
    %swap3A_151 = tpu.vector_load %arg6[%swap3A_149, %swap3A_150] {strides = array<i32>} : memref<1x512xi32, #tpu.memory_space<vmem>>, vector<1x16xi32>,
    %swap3A_152 = vector.shape_cast %swap3A_151 : vector<1x16xi32> to vector<16xi32>
    %swap3A_153 = vector.shape_cast %add3A_147 : vector<16xi32> to vector<1x16xi32>
    tpu.vector_store %arg6[%swap3A_149, %swap3A_150], %swap3A_153 {strides = array<i32>} : memref<1x512xi32, #tpu.memory_space<vmem>>, vector<1x16xi32>,
    %add3A_154 = arith.constant 144 : i32
    %add3A_155 = arith.addi %mul3A_2, %add3A_154 : i32
    %add3A_156 = vector.broadcast %add3A_155 : i32 to vector<16xi32>
    %add3A_157 = arith.addi %add3A_156, %iota3A : vector<16xi32>
    %mul3A_158 = arith.constant 1000 : i32
    %mul3A_159 = vector.broadcast %mul3A_158 : i32 to vector<16xi32>
    %mul3A_160 = arith.muli %add3A_157, %mul3A_159 : vector<16xi32>
    %get3A_161 = arith.constant 144 : index
    %get3A_162 = tpu.vector_load %arg5[%get3A_161] {strides = array<i32>} : memref<512xi32, #tpu.memory_space<vmem>>, vector<16xi32>,
    %get3A_163 = vector.shape_cast %get3A_162 : vector<16xi32> to vector<16xi32>
    %add3A_164 = arith.addi %mul3A_160, %get3A_163 : vector<16xi32>
    %swap3A_165 = arith.constant 0 : i32
    %swap3A_166 = arith.index_cast %swap3A_165 : i32 to index
    %swap3A_167 = arith.constant 144 : index
    %swap3A_168 = tpu.vector_load %arg6[%swap3A_166, %swap3A_167] {strides = array<i32>} : memref<1x512xi32, #tpu.memory_space<vmem>>, vector<1x16xi32>,
    %swap3A_169 = vector.shape_cast %swap3A_168 : vector<1x16xi32> to vector<16xi32>
    %swap3A_170 = vector.shape_cast %add3A_164 : vector<16xi32> to vector<1x16xi32>
    tpu.vector_store %arg6[%swap3A_166, %swap3A_167], %swap3A_170 {strides = array<i32>} : memref<1x512xi32, #tpu.memory_space<vmem>>, vector<1x16xi32>,
    %add3A_171 = arith.constant 160 : i32
    %add3A_172 = arith.addi %mul3A_2, %add3A_171 : i32
    %add3A_173 = vector.broadcast %add3A_172 : i32 to vector<16xi32>
    %add3A_174 = arith.addi %add3A_173, %iota3A : vector<16xi32>
    %mul3A_175 = arith.constant 1000 : i32
    %mul3A_176 = vector.broadcast %mul3A_175 : i32 to vector<16xi32>
    %mul3A_177 = arith.muli %add3A_174, %mul3A_176 : vector<16xi32>
    %get3A_178 = arith.constant 160 : index
    %get3A_179 = tpu.vector_load %arg5[%get3A_178] {strides = array<i32>} : memref<512xi32, #tpu.memory_space<vmem>>, vector<16xi32>,
    %get3A_180 = vector.shape_cast %get3A_179 : vector<16xi32> to vector<16xi32>
    %add3A_181 = arith.addi %mul3A_177, %get3A_180 : vector<16xi32>
    %swap3A_182 = arith.constant 0 : i32
    %swap3A_183 = arith.index_cast %swap3A_182 : i32 to index
    %swap3A_184 = arith.constant 160 : index
    %swap3A_185 = tpu.vector_load %arg6[%swap3A_183, %swap3A_184] {strides = array<i32>} : memref<1x512xi32, #tpu.memory_space<vmem>>, vector<1x16xi32>,
    %swap3A_186 = vector.shape_cast %swap3A_185 : vector<1x16xi32> to vector<16xi32>
    %swap3A_187 = vector.shape_cast %add3A_181 : vector<16xi32> to vector<1x16xi32>
    tpu.vector_store %arg6[%swap3A_183, %swap3A_184], %swap3A_187 {strides = array<i32>} : memref<1x512xi32, #tpu.memory_space<vmem>>, vector<1x16xi32>,
    %add3A_188 = arith.constant 176 : i32
    %add3A_189 = arith.addi %mul3A_2, %add3A_188 : i32
    %add3A_190 = vector.broadcast %add3A_189 : i32 to vector<16xi32>
    %add3A_191 = arith.addi %add3A_190, %iota3A : vector<16xi32>
    %mul3A_192 = arith.constant 1000 : i32
    %mul3A_193 = vector.broadcast %mul3A_192 : i32 to vector<16xi32>
    %mul3A_194 = arith.muli %add3A_191, %mul3A_193 : vector<16xi32>
    %get3A_195 = arith.constant 176 : index
    %get3A_196 = tpu.vector_load %arg5[%get3A_195] {strides = array<i32>} : memref<512xi32, #tpu.memory_space<vmem>>, vector<16xi32>,
    %get3A_197 = vector.shape_cast %get3A_196 : vector<16xi32> to vector<16xi32>
    %add3A_198 = arith.addi %mul3A_194, %get3A_197 : vector<16xi32>
    %swap3A_199 = arith.constant 0 : i32
    %swap3A_200 = arith.index_cast %swap3A_199 : i32 to index
    %swap3A_201 = arith.constant 176 : index
    %swap3A_202 = tpu.vector_load %arg6[%swap3A_200, %swap3A_201] {strides = array<i32>} : memref<1x512xi32, #tpu.memory_space<vmem>>, vector<1x16xi32>,
    %swap3A_203 = vector.shape_cast %swap3A_202 : vector<1x16xi32> to vector<16xi32>
    %swap3A_204 = vector.shape_cast %add3A_198 : vector<16xi32> to vector<1x16xi32>
    tpu.vector_store %arg6[%swap3A_200, %swap3A_201], %swap3A_204 {strides = array<i32>} : memref<1x512xi32, #tpu.memory_space<vmem>>, vector<1x16xi32>,
    %add3A_205 = arith.constant 192 : i32
    %add3A_206 = arith.addi %mul3A_2, %add3A_205 : i32
    %add3A_207 = vector.broadcast %add3A_206 : i32 to vector<16xi32>
    %add3A_208 = arith.addi %add3A_207, %iota3A : vector<16xi32>
    %mul3A_209 = arith.constant 1000 : i32
    %mul3A_210 = vector.broadcast %mul3A_209 : i32 to vector<16xi32>
    %mul3A_211 = arith.muli %add3A_208, %mul3A_210 : vector<16xi32>
    %get3A_212 = arith.constant 192 : index
    %get3A_213 = tpu.vector_load %arg5[%get3A_212] {strides = array<i32>} : memref<512xi32, #tpu.memory_space<vmem>>, vector<16xi32>,
    %get3A_214 = vector.shape_cast %get3A_213 : vector<16xi32> to vector<16xi32>
    %add3A_215 = arith.addi %mul3A_211, %get3A_214 : vector<16xi32>
    %swap3A_216 = arith.constant 0 : i32
    %swap3A_217 = arith.index_cast %swap3A_216 : i32 to index
    %swap3A_218 = arith.constant 192 : index
    %swap3A_219 = tpu.vector_load %arg6[%swap3A_217, %swap3A_218] {strides = array<i32>} : memref<1x512xi32, #tpu.memory_space<vmem>>, vector<1x16xi32>,
    %swap3A_220 = vector.shape_cast %swap3A_219 : vector<1x16xi32> to vector<16xi32>
    %swap3A_221 = vector.shape_cast %add3A_215 : vector<16xi32> to vector<1x16xi32>
    tpu.vector_store %arg6[%swap3A_217, %swap3A_218], %swap3A_221 {strides = array<i32>} : memref<1x512xi32, #tpu.memory_space<vmem>>, vector<1x16xi32>,
    %add3A_222 = arith.constant 208 : i32
    %add3A_223 = arith.addi %mul3A_2, %add3A_222 : i32
    %add3A_224 = vector.broadcast %add3A_223 : i32 to vector<16xi32>
    %add3A_225 = arith.addi %add3A_224, %iota3A : vector<16xi32>
    %mul3A_226 = arith.constant 1000 : i32
    %mul3A_227 = vector.broadcast %mul3A_226 : i32 to vector<16xi32>
    %mul3A_228 = arith.muli %add3A_225, %mul3A_227 : vector<16xi32>
    %get3A_229 = arith.constant 208 : index
    %get3A_230 = tpu.vector_load %arg5[%get3A_229] {strides = array<i32>} : memref<512xi32, #tpu.memory_space<vmem>>, vector<16xi32>,
    %get3A_231 = vector.shape_cast %get3A_230 : vector<16xi32> to vector<16xi32>
    %add3A_232 = arith.addi %mul3A_228, %get3A_231 : vector<16xi32>
    %swap3A_233 = arith.constant 0 : i32
    %swap3A_234 = arith.index_cast %swap3A_233 : i32 to index
    %swap3A_235 = arith.constant 208 : index
    %swap3A_236 = tpu.vector_load %arg6[%swap3A_234, %swap3A_235] {strides = array<i32>} : memref<1x512xi32, #tpu.memory_space<vmem>>, vector<1x16xi32>,
    %swap3A_237 = vector.shape_cast %swap3A_236 : vector<1x16xi32> to vector<16xi32>
    %swap3A_238 = vector.shape_cast %add3A_232 : vector<16xi32> to vector<1x16xi32>
    tpu.vector_store %arg6[%swap3A_234, %swap3A_235], %swap3A_238 {strides = array<i32>} : memref<1x512xi32, #tpu.memory_space<vmem>>, vector<1x16xi32>,
    %add3A_239 = arith.constant 224 : i32
    %add3A_240 = arith.addi %mul3A_2, %add3A_239 : i32
    %add3A_241 = vector.broadcast %add3A_240 : i32 to vector<16xi32>
    %add3A_242 = arith.addi %add3A_241, %iota3A : vector<16xi32>
    %mul3A_243 = arith.constant 1000 : i32
    %mul3A_244 = vector.broadcast %mul3A_243 : i32 to vector<16xi32>
    %mul3A_245 = arith.muli %add3A_242, %mul3A_244 : vector<16xi32>
    %get3A_246 = arith.constant 224 : index
    %get3A_247 = tpu.vector_load %arg5[%get3A_246] {strides = array<i32>} : memref<512xi32, #tpu.memory_space<vmem>>, vector<16xi32>,
    %get3A_248 = vector.shape_cast %get3A_247 : vector<16xi32> to vector<16xi32>
    %add3A_249 = arith.addi %mul3A_245, %get3A_248 : vector<16xi32>
    %swap3A_250 = arith.constant 0 : i32
    %swap3A_251 = arith.index_cast %swap3A_250 : i32 to index
    %swap3A_252 = arith.constant 224 : index
    %swap3A_253 = tpu.vector_load %arg6[%swap3A_251, %swap3A_252] {strides = array<i32>} : memref<1x512xi32, #tpu.memory_space<vmem>>, vector<1x16xi32>,
    %swap3A_254 = vector.shape_cast %swap3A_253 : vector<1x16xi32> to vector<16xi32>
    %swap3A_255 = vector.shape_cast %add3A_249 : vector<16xi32> to vector<1x16xi32>
    tpu.vector_store %arg6[%swap3A_251, %swap3A_252], %swap3A_255 {strides = array<i32>} : memref<1x512xi32, #tpu.memory_space<vmem>>, vector<1x16xi32>,
    %add3A_256 = arith.constant 240 : i32
    %add3A_257 = arith.addi %mul3A_2, %add3A_256 : i32
    %add3A_258 = vector.broadcast %add3A_257 : i32 to vector<16xi32>
    %add3A_259 = arith.addi %add3A_258, %iota3A : vector<16xi32>
    %mul3A_260 = arith.constant 1000 : i32
    %mul3A_261 = vector.broadcast %mul3A_260 : i32 to vector<16xi32>
    %mul3A_262 = arith.muli %add3A_259, %mul3A_261 : vector<16xi32>
    %get3A_263 = arith.constant 240 : index
    %get3A_264 = tpu.vector_load %arg5[%get3A_263] {strides = array<i32>} : memref<512xi32, #tpu.memory_space<vmem>>, vector<16xi32>,
    %get3A_265 = vector.shape_cast %get3A_264 : vector<16xi32> to vector<16xi32>
    %add3A_266 = arith.addi %mul3A_262, %get3A_265 : vector<16xi32>
    %swap3A_267 = arith.constant 0 : i32
    %swap3A_268 = arith.index_cast %swap3A_267 : i32 to index
    %swap3A_269 = arith.constant 240 : index
    %swap3A_270 = tpu.vector_load %arg6[%swap3A_268, %swap3A_269] {strides = array<i32>} : memref<1x512xi32, #tpu.memory_space<vmem>>, vector<1x16xi32>,
    %swap3A_271 = vector.shape_cast %swap3A_270 : vector<1x16xi32> to vector<16xi32>
    %swap3A_272 = vector.shape_cast %add3A_266 : vector<16xi32> to vector<1x16xi32>
    tpu.vector_store %arg6[%swap3A_268, %swap3A_269], %swap3A_272 {strides = array<i32>} : memref<1x512xi32, #tpu.memory_space<vmem>>, vector<1x16xi32>,
    %add3A_273 = arith.constant 256 : i32
    %add3A_274 = arith.addi %mul3A_2, %add3A_273 : i32
    %add3A_275 = vector.broadcast %add3A_274 : i32 to vector<16xi32>
    %add3A_276 = arith.addi %add3A_275, %iota3A : vector<16xi32>
    %mul3A_277 = arith.constant 1000 : i32
    %mul3A_278 = vector.broadcast %mul3A_277 : i32 to vector<16xi32>
    %mul3A_279 = arith.muli %add3A_276, %mul3A_278 : vector<16xi32>
    %get3A_280 = arith.constant 256 : index
    %get3A_281 = tpu.vector_load %arg5[%get3A_280] {strides = array<i32>} : memref<512xi32, #tpu.memory_space<vmem>>, vector<16xi32>,
    %get3A_282 = vector.shape_cast %get3A_281 : vector<16xi32> to vector<16xi32>
    %add3A_283 = arith.addi %mul3A_279, %get3A_282 : vector<16xi32>
    %swap3A_284 = arith.constant 0 : i32
    %swap3A_285 = arith.index_cast %swap3A_284 : i32 to index
    %swap3A_286 = arith.constant 256 : index
    %swap3A_287 = tpu.vector_load %arg6[%swap3A_285, %swap3A_286] {strides = array<i32>} : memref<1x512xi32, #tpu.memory_space<vmem>>, vector<1x16xi32>,
    %swap3A_288 = vector.shape_cast %swap3A_287 : vector<1x16xi32> to vector<16xi32>
    %swap3A_289 = vector.shape_cast %add3A_283 : vector<16xi32> to vector<1x16xi32>
    tpu.vector_store %arg6[%swap3A_285, %swap3A_286], %swap3A_289 {strides = array<i32>} : memref<1x512xi32, #tpu.memory_space<vmem>>, vector<1x16xi32>,
    %add3A_290 = arith.constant 272 : i32
    %add3A_291 = arith.addi %mul3A_2, %add3A_290 : i32
    %add3A_292 = vector.broadcast %add3A_291 : i32 to vector<16xi32>
    %add3A_293 = arith.addi %add3A_292, %iota3A : vector<16xi32>
    %mul3A_294 = arith.constant 1000 : i32
    %mul3A_295 = vector.broadcast %mul3A_294 : i32 to vector<16xi32>
    %mul3A_296 = arith.muli %add3A_293, %mul3A_295 : vector<16xi32>
    %get3A_297 = arith.constant 272 : index
    %get3A_298 = tpu.vector_load %arg5[%get3A_297] {strides = array<i32>} : memref<512xi32, #tpu.memory_space<vmem>>, vector<16xi32>,
    %get3A_299 = vector.shape_cast %get3A_298 : vector<16xi32> to vector<16xi32>
    %add3A_300 = arith.addi %mul3A_296, %get3A_299 : vector<16xi32>
    %swap3A_301 = arith.constant 0 : i32
    %swap3A_302 = arith.index_cast %swap3A_301 : i32 to index
    %swap3A_303 = arith.constant 272 : index
    %swap3A_304 = tpu.vector_load %arg6[%swap3A_302, %swap3A_303] {strides = array<i32>} : memref<1x512xi32, #tpu.memory_space<vmem>>, vector<1x16xi32>,
    %swap3A_305 = vector.shape_cast %swap3A_304 : vector<1x16xi32> to vector<16xi32>
    %swap3A_306 = vector.shape_cast %add3A_300 : vector<16xi32> to vector<1x16xi32>
    tpu.vector_store %arg6[%swap3A_302, %swap3A_303], %swap3A_306 {strides = array<i32>} : memref<1x512xi32, #tpu.memory_space<vmem>>, vector<1x16xi32>,
    %add3A_307 = arith.constant 288 : i32
    %add3A_308 = arith.addi %mul3A_2, %add3A_307 : i32
    %add3A_309 = vector.broadcast %add3A_308 : i32 to vector<16xi32>
    %add3A_310 = arith.addi %add3A_309, %iota3A : vector<16xi32>
    %mul3A_311 = arith.constant 1000 : i32
    %mul3A_312 = vector.broadcast %mul3A_311 : i32 to vector<16xi32>
    %mul3A_313 = arith.muli %add3A_310, %mul3A_312 : vector<16xi32>
    %get3A_314 = arith.constant 288 : index
    %get3A_315 = tpu.vector_load %arg5[%get3A_314] {strides = array<i32>} : memref<512xi32, #tpu.memory_space<vmem>>, vector<16xi32>,
    %get3A_316 = vector.shape_cast %get3A_315 : vector<16xi32> to vector<16xi32>
    %add3A_317 = arith.addi %mul3A_313, %get3A_316 : vector<16xi32>
    %swap3A_318 = arith.constant 0 : i32
    %swap3A_319 = arith.index_cast %swap3A_318 : i32 to index
    %swap3A_320 = arith.constant 288 : index
    %swap3A_321 = tpu.vector_load %arg6[%swap3A_319, %swap3A_320] {strides = array<i32>} : memref<1x512xi32, #tpu.memory_space<vmem>>, vector<1x16xi32>,
    %swap3A_322 = vector.shape_cast %swap3A_321 : vector<1x16xi32> to vector<16xi32>
    %swap3A_323 = vector.shape_cast %add3A_317 : vector<16xi32> to vector<1x16xi32>
    tpu.vector_store %arg6[%swap3A_319, %swap3A_320], %swap3A_323 {strides = array<i32>} : memref<1x512xi32, #tpu.memory_space<vmem>>, vector<1x16xi32>,
    %add3A_324 = arith.constant 304 : i32
    %add3A_325 = arith.addi %mul3A_2, %add3A_324 : i32
    %add3A_326 = vector.broadcast %add3A_325 : i32 to vector<16xi32>
    %add3A_327 = arith.addi %add3A_326, %iota3A : vector<16xi32>
    %mul3A_328 = arith.constant 1000 : i32
    %mul3A_329 = vector.broadcast %mul3A_328 : i32 to vector<16xi32>
    %mul3A_330 = arith.muli %add3A_327, %mul3A_329 : vector<16xi32>
    %get3A_331 = arith.constant 304 : index
    %get3A_332 = tpu.vector_load %arg5[%get3A_331] {strides = array<i32>} : memref<512xi32, #tpu.memory_space<vmem>>, vector<16xi32>,
    %get3A_333 = vector.shape_cast %get3A_332 : vector<16xi32> to vector<16xi32>
    %add3A_334 = arith.addi %mul3A_330, %get3A_333 : vector<16xi32>
    %swap3A_335 = arith.constant 0 : i32
    %swap3A_336 = arith.index_cast %swap3A_335 : i32 to index
    %swap3A_337 = arith.constant 304 : index
    %swap3A_338 = tpu.vector_load %arg6[%swap3A_336, %swap3A_337] {strides = array<i32>} : memref<1x512xi32, #tpu.memory_space<vmem>>, vector<1x16xi32>,
    %swap3A_339 = vector.shape_cast %swap3A_338 : vector<1x16xi32> to vector<16xi32>
    %swap3A_340 = vector.shape_cast %add3A_334 : vector<16xi32> to vector<1x16xi32>
    tpu.vector_store %arg6[%swap3A_336, %swap3A_337], %swap3A_340 {strides = array<i32>} : memref<1x512xi32, #tpu.memory_space<vmem>>, vector<1x16xi32>,
    %add3A_341 = arith.constant 320 : i32
    %add3A_342 = arith.addi %mul3A_2, %add3A_341 : i32
    %add3A_343 = vector.broadcast %add3A_342 : i32 to vector<16xi32>
    %add3A_344 = arith.addi %add3A_343, %iota3A : vector<16xi32>
    %mul3A_345 = arith.constant 1000 : i32
    %mul3A_346 = vector.broadcast %mul3A_345 : i32 to vector<16xi32>
    %mul3A_347 = arith.muli %add3A_344, %mul3A_346 : vector<16xi32>
    %get3A_348 = arith.constant 320 : index
    %get3A_349 = tpu.vector_load %arg5[%get3A_348] {strides = array<i32>} : memref<512xi32, #tpu.memory_space<vmem>>, vector<16xi32>,
    %get3A_350 = vector.shape_cast %get3A_349 : vector<16xi32> to vector<16xi32>
    %add3A_351 = arith.addi %mul3A_347, %get3A_350 : vector<16xi32>
    %swap3A_352 = arith.constant 0 : i32
    %swap3A_353 = arith.index_cast %swap3A_352 : i32 to index
    %swap3A_354 = arith.constant 320 : index
    %swap3A_355 = tpu.vector_load %arg6[%swap3A_353, %swap3A_354] {strides = array<i32>} : memref<1x512xi32, #tpu.memory_space<vmem>>, vector<1x16xi32>,
    %swap3A_356 = vector.shape_cast %swap3A_355 : vector<1x16xi32> to vector<16xi32>
    %swap3A_357 = vector.shape_cast %add3A_351 : vector<16xi32> to vector<1x16xi32>
    tpu.vector_store %arg6[%swap3A_353, %swap3A_354], %swap3A_357 {strides = array<i32>} : memref<1x512xi32, #tpu.memory_space<vmem>>, vector<1x16xi32>,
    %add3A_358 = arith.constant 336 : i32
    %add3A_359 = arith.addi %mul3A_2, %add3A_358 : i32
    %add3A_360 = vector.broadcast %add3A_359 : i32 to vector<16xi32>
    %add3A_361 = arith.addi %add3A_360, %iota3A : vector<16xi32>
    %mul3A_362 = arith.constant 1000 : i32
    %mul3A_363 = vector.broadcast %mul3A_362 : i32 to vector<16xi32>
    %mul3A_364 = arith.muli %add3A_361, %mul3A_363 : vector<16xi32>
    %get3A_365 = arith.constant 336 : index
    %get3A_366 = tpu.vector_load %arg5[%get3A_365] {strides = array<i32>} : memref<512xi32, #tpu.memory_space<vmem>>, vector<16xi32>,
    %get3A_367 = vector.shape_cast %get3A_366 : vector<16xi32> to vector<16xi32>
    %add3A_368 = arith.addi %mul3A_364, %get3A_367 : vector<16xi32>
    %swap3A_369 = arith.constant 0 : i32
    %swap3A_370 = arith.index_cast %swap3A_369 : i32 to index
    %swap3A_371 = arith.constant 336 : index
    %swap3A_372 = tpu.vector_load %arg6[%swap3A_370, %swap3A_371] {strides = array<i32>} : memref<1x512xi32, #tpu.memory_space<vmem>>, vector<1x16xi32>,
    %swap3A_373 = vector.shape_cast %swap3A_372 : vector<1x16xi32> to vector<16xi32>
    %swap3A_374 = vector.shape_cast %add3A_368 : vector<16xi32> to vector<1x16xi32>
    tpu.vector_store %arg6[%swap3A_370, %swap3A_371], %swap3A_374 {strides = array<i32>} : memref<1x512xi32, #tpu.memory_space<vmem>>, vector<1x16xi32>,
    %add3A_375 = arith.constant 352 : i32
    %add3A_376 = arith.addi %mul3A_2, %add3A_375 : i32
    %add3A_377 = vector.broadcast %add3A_376 : i32 to vector<16xi32>
    %add3A_378 = arith.addi %add3A_377, %iota3A : vector<16xi32>
    %mul3A_379 = arith.constant 1000 : i32
    %mul3A_380 = vector.broadcast %mul3A_379 : i32 to vector<16xi32>
    %mul3A_381 = arith.muli %add3A_378, %mul3A_380 : vector<16xi32>
    %get3A_382 = arith.constant 352 : index
    %get3A_383 = tpu.vector_load %arg5[%get3A_382] {strides = array<i32>} : memref<512xi32, #tpu.memory_space<vmem>>, vector<16xi32>,
    %get3A_384 = vector.shape_cast %get3A_383 : vector<16xi32> to vector<16xi32>
    %add3A_385 = arith.addi %mul3A_381, %get3A_384 : vector<16xi32>
    %swap3A_386 = arith.constant 0 : i32
    %swap3A_387 = arith.index_cast %swap3A_386 : i32 to index
    %swap3A_388 = arith.constant 352 : index
    %swap3A_389 = tpu.vector_load %arg6[%swap3A_387, %swap3A_388] {strides = array<i32>} : memref<1x512xi32, #tpu.memory_space<vmem>>, vector<1x16xi32>,
    %swap3A_390 = vector.shape_cast %swap3A_389 : vector<1x16xi32> to vector<16xi32>
    %swap3A_391 = vector.shape_cast %add3A_385 : vector<16xi32> to vector<1x16xi32>
    tpu.vector_store %arg6[%swap3A_387, %swap3A_388], %swap3A_391 {strides = array<i32>} : memref<1x512xi32, #tpu.memory_space<vmem>>, vector<1x16xi32>,
    %add3A_392 = arith.constant 368 : i32
    %add3A_393 = arith.addi %mul3A_2, %add3A_392 : i32
    %add3A_394 = vector.broadcast %add3A_393 : i32 to vector<16xi32>
    %add3A_395 = arith.addi %add3A_394, %iota3A : vector<16xi32>
    %mul3A_396 = arith.constant 1000 : i32
    %mul3A_397 = vector.broadcast %mul3A_396 : i32 to vector<16xi32>
    %mul3A_398 = arith.muli %add3A_395, %mul3A_397 : vector<16xi32>
    %get3A_399 = arith.constant 368 : index
    %get3A_400 = tpu.vector_load %arg5[%get3A_399] {strides = array<i32>} : memref<512xi32, #tpu.memory_space<vmem>>, vector<16xi32>,
    %get3A_401 = vector.shape_cast %get3A_400 : vector<16xi32> to vector<16xi32>
    %add3A_402 = arith.addi %mul3A_398, %get3A_401 : vector<16xi32>
    %swap3A_403 = arith.constant 0 : i32
    %swap3A_404 = arith.index_cast %swap3A_403 : i32 to index
    %swap3A_405 = arith.constant 368 : index
    %swap3A_406 = tpu.vector_load %arg6[%swap3A_404, %swap3A_405] {strides = array<i32>} : memref<1x512xi32, #tpu.memory_space<vmem>>, vector<1x16xi32>,
    %swap3A_407 = vector.shape_cast %swap3A_406 : vector<1x16xi32> to vector<16xi32>
    %swap3A_408 = vector.shape_cast %add3A_402 : vector<16xi32> to vector<1x16xi32>
    tpu.vector_store %arg6[%swap3A_404, %swap3A_405], %swap3A_408 {strides = array<i32>} : memref<1x512xi32, #tpu.memory_space<vmem>>, vector<1x16xi32>,
    %add3A_409 = arith.constant 384 : i32
    %add3A_410 = arith.addi %mul3A_2, %add3A_409 : i32
    %add3A_411 = vector.broadcast %add3A_410 : i32 to vector<16xi32>
    %add3A_412 = arith.addi %add3A_411, %iota3A : vector<16xi32>
    %mul3A_413 = arith.constant 1000 : i32
    %mul3A_414 = vector.broadcast %mul3A_413 : i32 to vector<16xi32>
    %mul3A_415 = arith.muli %add3A_412, %mul3A_414 : vector<16xi32>
    %get3A_416 = arith.constant 384 : index
    %get3A_417 = tpu.vector_load %arg5[%get3A_416] {strides = array<i32>} : memref<512xi32, #tpu.memory_space<vmem>>, vector<16xi32>,
    %get3A_418 = vector.shape_cast %get3A_417 : vector<16xi32> to vector<16xi32>
    %add3A_419 = arith.addi %mul3A_415, %get3A_418 : vector<16xi32>
    %swap3A_420 = arith.constant 0 : i32
    %swap3A_421 = arith.index_cast %swap3A_420 : i32 to index
    %swap3A_422 = arith.constant 384 : index
    %swap3A_423 = tpu.vector_load %arg6[%swap3A_421, %swap3A_422] {strides = array<i32>} : memref<1x512xi32, #tpu.memory_space<vmem>>, vector<1x16xi32>,
    %swap3A_424 = vector.shape_cast %swap3A_423 : vector<1x16xi32> to vector<16xi32>
    %swap3A_425 = vector.shape_cast %add3A_419 : vector<16xi32> to vector<1x16xi32>
    tpu.vector_store %arg6[%swap3A_421, %swap3A_422], %swap3A_425 {strides = array<i32>} : memref<1x512xi32, #tpu.memory_space<vmem>>, vector<1x16xi32>,
    %add3A_426 = arith.constant 400 : i32
    %add3A_427 = arith.addi %mul3A_2, %add3A_426 : i32
    %add3A_428 = vector.broadcast %add3A_427 : i32 to vector<16xi32>
    %add3A_429 = arith.addi %add3A_428, %iota3A : vector<16xi32>
    %mul3A_430 = arith.constant 1000 : i32
    %mul3A_431 = vector.broadcast %mul3A_430 : i32 to vector<16xi32>
    %mul3A_432 = arith.muli %add3A_429, %mul3A_431 : vector<16xi32>
    %get3A_433 = arith.constant 400 : index
    %get3A_434 = tpu.vector_load %arg5[%get3A_433] {strides = array<i32>} : memref<512xi32, #tpu.memory_space<vmem>>, vector<16xi32>,
    %get3A_435 = vector.shape_cast %get3A_434 : vector<16xi32> to vector<16xi32>
    %add3A_436 = arith.addi %mul3A_432, %get3A_435 : vector<16xi32>
    %swap3A_437 = arith.constant 0 : i32
    %swap3A_438 = arith.index_cast %swap3A_437 : i32 to index
    %swap3A_439 = arith.constant 400 : index
    %swap3A_440 = tpu.vector_load %arg6[%swap3A_438, %swap3A_439] {strides = array<i32>} : memref<1x512xi32, #tpu.memory_space<vmem>>, vector<1x16xi32>,
    %swap3A_441 = vector.shape_cast %swap3A_440 : vector<1x16xi32> to vector<16xi32>
    %swap3A_442 = vector.shape_cast %add3A_436 : vector<16xi32> to vector<1x16xi32>
    tpu.vector_store %arg6[%swap3A_438, %swap3A_439], %swap3A_442 {strides = array<i32>} : memref<1x512xi32, #tpu.memory_space<vmem>>, vector<1x16xi32>,
    %add3A_443 = arith.constant 416 : i32
    %add3A_444 = arith.addi %mul3A_2, %add3A_443 : i32
    %add3A_445 = vector.broadcast %add3A_444 : i32 to vector<16xi32>
    %add3A_446 = arith.addi %add3A_445, %iota3A : vector<16xi32>
    %mul3A_447 = arith.constant 1000 : i32
    %mul3A_448 = vector.broadcast %mul3A_447 : i32 to vector<16xi32>
    %mul3A_449 = arith.muli %add3A_446, %mul3A_448 : vector<16xi32>
    %get3A_450 = arith.constant 416 : index
    %get3A_451 = tpu.vector_load %arg5[%get3A_450] {strides = array<i32>} : memref<512xi32, #tpu.memory_space<vmem>>, vector<16xi32>,
    %get3A_452 = vector.shape_cast %get3A_451 : vector<16xi32> to vector<16xi32>
    %add3A_453 = arith.addi %mul3A_449, %get3A_452 : vector<16xi32>
    %swap3A_454 = arith.constant 0 : i32
    %swap3A_455 = arith.index_cast %swap3A_454 : i32 to index
    %swap3A_456 = arith.constant 416 : index
    %swap3A_457 = tpu.vector_load %arg6[%swap3A_455, %swap3A_456] {strides = array<i32>} : memref<1x512xi32, #tpu.memory_space<vmem>>, vector<1x16xi32>,
    %swap3A_458 = vector.shape_cast %swap3A_457 : vector<1x16xi32> to vector<16xi32>
    %swap3A_459 = vector.shape_cast %add3A_453 : vector<16xi32> to vector<1x16xi32>
    tpu.vector_store %arg6[%swap3A_455, %swap3A_456], %swap3A_459 {strides = array<i32>} : memref<1x512xi32, #tpu.memory_space<vmem>>, vector<1x16xi32>,
    %add3A_460 = arith.constant 432 : i32
    %add3A_461 = arith.addi %mul3A_2, %add3A_460 : i32
    %add3A_462 = vector.broadcast %add3A_461 : i32 to vector<16xi32>
    %add3A_463 = arith.addi %add3A_462, %iota3A : vector<16xi32>
    %mul3A_464 = arith.constant 1000 : i32
    %mul3A_465 = vector.broadcast %mul3A_464 : i32 to vector<16xi32>
    %mul3A_466 = arith.muli %add3A_463, %mul3A_465 : vector<16xi32>
    %get3A_467 = arith.constant 432 : index
    %get3A_468 = tpu.vector_load %arg5[%get3A_467] {strides = array<i32>} : memref<512xi32, #tpu.memory_space<vmem>>, vector<16xi32>,
    %get3A_469 = vector.shape_cast %get3A_468 : vector<16xi32> to vector<16xi32>
    %add3A_470 = arith.addi %mul3A_466, %get3A_469 : vector<16xi32>
    %swap3A_471 = arith.constant 0 : i32
    %swap3A_472 = arith.index_cast %swap3A_471 : i32 to index
    %swap3A_473 = arith.constant 432 : index
    %swap3A_474 = tpu.vector_load %arg6[%swap3A_472, %swap3A_473] {strides = array<i32>} : memref<1x512xi32, #tpu.memory_space<vmem>>, vector<1x16xi32>,
    %swap3A_475 = vector.shape_cast %swap3A_474 : vector<1x16xi32> to vector<16xi32>
    %swap3A_476 = vector.shape_cast %add3A_470 : vector<16xi32> to vector<1x16xi32>
    tpu.vector_store %arg6[%swap3A_472, %swap3A_473], %swap3A_476 {strides = array<i32>} : memref<1x512xi32, #tpu.memory_space<vmem>>, vector<1x16xi32>,
    %add3A_477 = arith.constant 448 : i32
    %add3A_478 = arith.addi %mul3A_2, %add3A_477 : i32
    %add3A_479 = vector.broadcast %add3A_478 : i32 to vector<16xi32>
    %add3A_480 = arith.addi %add3A_479, %iota3A : vector<16xi32>
    %mul3A_481 = arith.constant 1000 : i32
    %mul3A_482 = vector.broadcast %mul3A_481 : i32 to vector<16xi32>
    %mul3A_483 = arith.muli %add3A_480, %mul3A_482 : vector<16xi32>
    %get3A_484 = arith.constant 448 : index
    %get3A_485 = tpu.vector_load %arg5[%get3A_484] {strides = array<i32>} : memref<512xi32, #tpu.memory_space<vmem>>, vector<16xi32>,
    %get3A_486 = vector.shape_cast %get3A_485 : vector<16xi32> to vector<16xi32>
    %add3A_487 = arith.addi %mul3A_483, %get3A_486 : vector<16xi32>
    %swap3A_488 = arith.constant 0 : i32
    %swap3A_489 = arith.index_cast %swap3A_488 : i32 to index
    %swap3A_490 = arith.constant 448 : index
    %swap3A_491 = tpu.vector_load %arg6[%swap3A_489, %swap3A_490] {strides = array<i32>} : memref<1x512xi32, #tpu.memory_space<vmem>>, vector<1x16xi32>,
    %swap3A_492 = vector.shape_cast %swap3A_491 : vector<1x16xi32> to vector<16xi32>
    %swap3A_493 = vector.shape_cast %add3A_487 : vector<16xi32> to vector<1x16xi32>
    tpu.vector_store %arg6[%swap3A_489, %swap3A_490], %swap3A_493 {strides = array<i32>} : memref<1x512xi32, #tpu.memory_space<vmem>>, vector<1x16xi32>,
    %add3A_494 = arith.constant 464 : i32
    %add3A_495 = arith.addi %mul3A_2, %add3A_494 : i32
    %add3A_496 = vector.broadcast %add3A_495 : i32 to vector<16xi32>
    %add3A_497 = arith.addi %add3A_496, %iota3A : vector<16xi32>
    %mul3A_498 = arith.constant 1000 : i32
    %mul3A_499 = vector.broadcast %mul3A_498 : i32 to vector<16xi32>
    %mul3A_500 = arith.muli %add3A_497, %mul3A_499 : vector<16xi32>
    %get3A_501 = arith.constant 464 : index
    %get3A_502 = tpu.vector_load %arg5[%get3A_501] {strides = array<i32>} : memref<512xi32, #tpu.memory_space<vmem>>, vector<16xi32>,
    %get3A_503 = vector.shape_cast %get3A_502 : vector<16xi32> to vector<16xi32>
    %add3A_504 = arith.addi %mul3A_500, %get3A_503 : vector<16xi32>
    %swap3A_505 = arith.constant 0 : i32
    %swap3A_506 = arith.index_cast %swap3A_505 : i32 to index
    %swap3A_507 = arith.constant 464 : index
    %swap3A_508 = tpu.vector_load %arg6[%swap3A_506, %swap3A_507] {strides = array<i32>} : memref<1x512xi32, #tpu.memory_space<vmem>>, vector<1x16xi32>,
    %swap3A_509 = vector.shape_cast %swap3A_508 : vector<1x16xi32> to vector<16xi32>
    %swap3A_510 = vector.shape_cast %add3A_504 : vector<16xi32> to vector<1x16xi32>
    tpu.vector_store %arg6[%swap3A_506, %swap3A_507], %swap3A_510 {strides = array<i32>} : memref<1x512xi32, #tpu.memory_space<vmem>>, vector<1x16xi32>,
    %add3A_511 = arith.constant 480 : i32
    %add3A_512 = arith.addi %mul3A_2, %add3A_511 : i32
    %add3A_513 = vector.broadcast %add3A_512 : i32 to vector<16xi32>
    %add3A_514 = arith.addi %add3A_513, %iota3A : vector<16xi32>
    %mul3A_515 = arith.constant 1000 : i32
    %mul3A_516 = vector.broadcast %mul3A_515 : i32 to vector<16xi32>
    %mul3A_517 = arith.muli %add3A_514, %mul3A_516 : vector<16xi32>
    %get3A_518 = arith.constant 480 : index
    %get3A_519 = tpu.vector_load %arg5[%get3A_518] {strides = array<i32>} : memref<512xi32, #tpu.memory_space<vmem>>, vector<16xi32>,
    %get3A_520 = vector.shape_cast %get3A_519 : vector<16xi32> to vector<16xi32>
    %add3A_521 = arith.addi %mul3A_517, %get3A_520 : vector<16xi32>
    %swap3A_522 = arith.constant 0 : i32
    %swap3A_523 = arith.index_cast %swap3A_522 : i32 to index
    %swap3A_524 = arith.constant 480 : index
    %swap3A_525 = tpu.vector_load %arg6[%swap3A_523, %swap3A_524] {strides = array<i32>} : memref<1x512xi32, #tpu.memory_space<vmem>>, vector<1x16xi32>,
    %swap3A_526 = vector.shape_cast %swap3A_525 : vector<1x16xi32> to vector<16xi32>
    %swap3A_527 = vector.shape_cast %add3A_521 : vector<16xi32> to vector<1x16xi32>
    tpu.vector_store %arg6[%swap3A_523, %swap3A_524], %swap3A_527 {strides = array<i32>} : memref<1x512xi32, #tpu.memory_space<vmem>>, vector<1x16xi32>,
    %add3A_528 = arith.constant 496 : i32
    %add3A_529 = arith.addi %mul3A_2, %add3A_528 : i32
    %add3A_530 = vector.broadcast %add3A_529 : i32 to vector<16xi32>
    %add3A_531 = arith.addi %add3A_530, %iota3A : vector<16xi32>
    %mul3A_532 = arith.constant 1000 : i32
    %mul3A_533 = vector.broadcast %mul3A_532 : i32 to vector<16xi32>
    %mul3A_534 = arith.muli %add3A_531, %mul3A_533 : vector<16xi32>
    %get3A_535 = arith.constant 496 : index
    %get3A_536 = tpu.vector_load %arg5[%get3A_535] {strides = array<i32>} : memref<512xi32, #tpu.memory_space<vmem>>, vector<16xi32>,
    %get3A_537 = vector.shape_cast %get3A_536 : vector<16xi32> to vector<16xi32>
    %add3A_538 = arith.addi %mul3A_534, %get3A_537 : vector<16xi32>
    %swap3A_539 = arith.constant 0 : i32
    %swap3A_540 = arith.index_cast %swap3A_539 : i32 to index
    %swap3A_541 = arith.constant 496 : index
    %swap3A_542 = tpu.vector_load %arg6[%swap3A_540, %swap3A_541] {strides = array<i32>} : memref<1x512xi32, #tpu.memory_space<vmem>>, vector<1x16xi32>,
    %swap3A_543 = vector.shape_cast %swap3A_542 : vector<1x16xi32> to vector<16xi32>
    %swap3A_544 = vector.shape_cast %add3A_538 : vector<16xi32> to vector<1x16xi32>
    tpu.vector_store %arg6[%swap3A_540, %swap3A_541], %swap3A_544 {strides = array<i32>} : memref<1x512xi32, #tpu.memory_space<vmem>>, vector<1x16xi32>,
    %dma_start3A = arith.constant 0 : i32
    %dma_start3A_545 = arith.constant 0 : i32
    %dma_start3A_546 = tpu.memref_slice %arg7[%dma_start3A_545] : memref<512xf32, #tpu.memory_space<vmem>> -> memref<128xf32, #tpu.memory_space<vmem>>
    %dma_start3A_547 = arith.constant 0 : i32
    %dma_start3A_548 = tpu.memref_slice %arg6[%dma_start3A, %dma_start3A_547] : memref<1x512xi32, #tpu.memory_space<vmem>> -> memref<1x128xi32, #tpu.memory_space<vmem>>
    %dma_start3A_549 = tpu.memref_squeeze %dma_start3A_548 : memref<1x128xi32, #tpu.memory_space<vmem>> -> memref<128xi32, #tpu.memory_space<vmem>>
    %dma_start3A_550 = arith.constant 0 : i32
    %dma_start3A_551 = tpu.memref_slice %arg2[%dma_start3A_550] : memref<16384000xf32, #tpu.memory_space<hbm>> -> memref<16384000xf32, #tpu.memory_space<hbm>>
    tpu.enqueue_indirect_dma source(%dma_start3A_551 : memref<16384000xf32, #tpu.memory_space<hbm>>) target(%dma_start3A_546 : memref<128xf32, #tpu.memory_space<vmem>>) offsets(%dma_start3A_549 : memref<128xi32, #tpu.memory_space<vmem>>) semaphore(%arg8 : memref<!tpu.dma_semaphore, #tpu.memory_space<semaphore_mem>>)
    %dma_start3A_552 = arith.constant 0 : i32
    %dma_start3A_553 = arith.constant 128 : i32
    %dma_start3A_554 = tpu.memref_slice %arg7[%dma_start3A_553] : memref<512xf32, #tpu.memory_space<vmem>> -> memref<128xf32, #tpu.memory_space<vmem>>
    %dma_start3A_555 = arith.constant 128 : i32
    %dma_start3A_556 = tpu.memref_slice %arg6[%dma_start3A_552, %dma_start3A_555] : memref<1x512xi32, #tpu.memory_space<vmem>> -> memref<1x128xi32, #tpu.memory_space<vmem>>
    %dma_start3A_557 = tpu.memref_squeeze %dma_start3A_556 : memref<1x128xi32, #tpu.memory_space<vmem>> -> memref<128xi32, #tpu.memory_space<vmem>>
    %dma_start3A_558 = arith.constant 0 : i32
    %dma_start3A_559 = tpu.memref_slice %arg2[%dma_start3A_558] : memref<16384000xf32, #tpu.memory_space<hbm>> -> memref<16384000xf32, #tpu.memory_space<hbm>>
    tpu.enqueue_indirect_dma source(%dma_start3A_559 : memref<16384000xf32, #tpu.memory_space<hbm>>) target(%dma_start3A_554 : memref<128xf32, #tpu.memory_space<vmem>>) offsets(%dma_start3A_557 : memref<128xi32, #tpu.memory_space<vmem>>) semaphore(%arg8 : memref<!tpu.dma_semaphore, #tpu.memory_space<semaphore_mem>>)
    %dma_start3A_560 = arith.constant 0 : i32
    %dma_start3A_561 = arith.constant 256 : i32
    %dma_start3A_562 = tpu.memref_slice %arg7[%dma_start3A_561] : memref<512xf32, #tpu.memory_space<vmem>> -> memref<128xf32, #tpu.memory_space<vmem>>
    %dma_start3A_563 = arith.constant 256 : i32
    %dma_start3A_564 = tpu.memref_slice %arg6[%dma_start3A_560, %dma_start3A_563] : memref<1x512xi32, #tpu.memory_space<vmem>> -> memref<1x128xi32, #tpu.memory_space<vmem>>
    %dma_start3A_565 = tpu.memref_squeeze %dma_start3A_564 : memref<1x128xi32, #tpu.memory_space<vmem>> -> memref<128xi32, #tpu.memory_space<vmem>>
    %dma_start3A_566 = arith.constant 0 : i32
    %dma_start3A_567 = tpu.memref_slice %arg2[%dma_start3A_566] : memref<16384000xf32, #tpu.memory_space<hbm>> -> memref<16384000xf32, #tpu.memory_space<hbm>>
    tpu.enqueue_indirect_dma source(%dma_start3A_567 : memref<16384000xf32, #tpu.memory_space<hbm>>) target(%dma_start3A_562 : memref<128xf32, #tpu.memory_space<vmem>>) offsets(%dma_start3A_565 : memref<128xi32, #tpu.memory_space<vmem>>) semaphore(%arg8 : memref<!tpu.dma_semaphore, #tpu.memory_space<semaphore_mem>>)
    %dma_start3A_568 = arith.constant 0 : i32
    %dma_start3A_569 = arith.constant 384 : i32
    %dma_start3A_570 = tpu.memref_slice %arg7[%dma_start3A_569] : memref<512xf32, #tpu.memory_space<vmem>> -> memref<128xf32, #tpu.memory_space<vmem>>
    %dma_start3A_571 = arith.constant 384 : i32
    %dma_start3A_572 = tpu.memref_slice %arg6[%dma_start3A_568, %dma_start3A_571] : memref<1x512xi32, #tpu.memory_space<vmem>> -> memref<1x128xi32, #tpu.memory_space<vmem>>
    %dma_start3A_573 = tpu.memref_squeeze %dma_start3A_572 : memref<1x128xi32, #tpu.memory_space<vmem>> -> memref<128xi32, #tpu.memory_space<vmem>>
    %dma_start3A_574 = arith.constant 0 : i32
    %dma_start3A_575 = tpu.memref_slice %arg2[%dma_start3A_574] : memref<16384000xf32, #tpu.memory_space<hbm>> -> memref<16384000xf32, #tpu.memory_space<hbm>>
    tpu.enqueue_indirect_dma source(%dma_start3A_575 : memref<16384000xf32, #tpu.memory_space<hbm>>) target(%dma_start3A_570 : memref<128xf32, #tpu.memory_space<vmem>>) offsets(%dma_start3A_573 : memref<128xi32, #tpu.memory_space<vmem>>) semaphore(%arg8 : memref<!tpu.dma_semaphore, #tpu.memory_space<semaphore_mem>>)
    %dma_wait3A = arith.constant 0 : i32
    %dma_wait3A_576 = arith.constant 0 : i32
    %dma_wait3A_577 = tpu.memref_slice %arg7[%dma_wait3A_576] : memref<512xf32, #tpu.memory_space<vmem>> -> memref<128xf32, #tpu.memory_space<vmem>>
    %dma_wait3A_578 = arith.constant 0 : i32
    %dma_wait3A_579 = tpu.memref_slice %arg6[%dma_wait3A, %dma_wait3A_578] : memref<1x512xi32, #tpu.memory_space<vmem>> -> memref<1x128xi32, #tpu.memory_space<vmem>>
    %dma_wait3A_580 = tpu.memref_squeeze %dma_wait3A_579 : memref<1x128xi32, #tpu.memory_space<vmem>> -> memref<128xi32, #tpu.memory_space<vmem>>
    %dma_wait3A_581 = arith.constant 0 : i32
    %dma_wait3A_582 = tpu.memref_slice %arg2[%dma_wait3A_581] : memref<16384000xf32, #tpu.memory_space<hbm>> -> memref<16384000xf32, #tpu.memory_space<hbm>>
    tpu.wait_indirect_dma semaphore(%arg8 : memref<!tpu.dma_semaphore, #tpu.memory_space<semaphore_mem>>) src(%dma_wait3A_582 : memref<16384000xf32, #tpu.memory_space<hbm>>) dst(%dma_wait3A_577 : memref<128xf32, #tpu.memory_space<vmem>>)
    %dma_wait3A_583 = arith.constant 0 : i32
    %dma_wait3A_584 = arith.constant 128 : i32
    %dma_wait3A_585 = tpu.memref_slice %arg7[%dma_wait3A_584] : memref<512xf32, #tpu.memory_space<vmem>> -> memref<128xf32, #tpu.memory_space<vmem>>
    %dma_wait3A_586 = arith.constant 128 : i32
    %dma_wait3A_587 = tpu.memref_slice %arg6[%dma_wait3A_583, %dma_wait3A_586] : memref<1x512xi32, #tpu.memory_space<vmem>> -> memref<1x128xi32, #tpu.memory_space<vmem>>
    %dma_wait3A_588 = tpu.memref_squeeze %dma_wait3A_587 : memref<1x128xi32, #tpu.memory_space<vmem>> -> memref<128xi32, #tpu.memory_space<vmem>>
    %dma_wait3A_589 = arith.constant 0 : i32
    %dma_wait3A_590 = tpu.memref_slice %arg2[%dma_wait3A_589] : memref<16384000xf32, #tpu.memory_space<hbm>> -> memref<16384000xf32, #tpu.memory_space<hbm>>
    tpu.wait_indirect_dma semaphore(%arg8 : memref<!tpu.dma_semaphore, #tpu.memory_space<semaphore_mem>>) src(%dma_wait3A_590 : memref<16384000xf32, #tpu.memory_space<hbm>>) dst(%dma_wait3A_585 : memref<128xf32, #tpu.memory_space<vmem>>)
    %dma_wait3A_591 = arith.constant 0 : i32
    %dma_wait3A_592 = arith.constant 256 : i32
    %dma_wait3A_593 = tpu.memref_slice %arg7[%dma_wait3A_592] : memref<512xf32, #tpu.memory_space<vmem>> -> memref<128xf32, #tpu.memory_space<vmem>>
    %dma_wait3A_594 = arith.constant 256 : i32
    %dma_wait3A_595 = tpu.memref_slice %arg6[%dma_wait3A_591, %dma_wait3A_594] : memref<1x512xi32, #tpu.memory_space<vmem>> -> memref<1x128xi32, #tpu.memory_space<vmem>>
    %dma_wait3A_596 = tpu.memref_squeeze %dma_wait3A_595 : memref<1x128xi32, #tpu.memory_space<vmem>> -> memref<128xi32, #tpu.memory_space<vmem>>
    %dma_wait3A_597 = arith.constant 0 : i32
    %dma_wait3A_598 = tpu.memref_slice %arg2[%dma_wait3A_597] : memref<16384000xf32, #tpu.memory_space<hbm>> -> memref<16384000xf32, #tpu.memory_space<hbm>>
    tpu.wait_indirect_dma semaphore(%arg8 : memref<!tpu.dma_semaphore, #tpu.memory_space<semaphore_mem>>) src(%dma_wait3A_598 : memref<16384000xf32, #tpu.memory_space<hbm>>) dst(%dma_wait3A_593 : memref<128xf32, #tpu.memory_space<vmem>>)
    %dma_wait3A_599 = arith.constant 0 : i32
    %dma_wait3A_600 = arith.constant 384 : i32
    %dma_wait3A_601 = tpu.memref_slice %arg7[%dma_wait3A_600] : memref<512xf32, #tpu.memory_space<vmem>> -> memref<128xf32, #tpu.memory_space<vmem>>
    %dma_wait3A_602 = arith.constant 384 : i32
    %dma_wait3A_603 = tpu.memref_slice %arg6[%dma_wait3A_599, %dma_wait3A_602] : memref<1x512xi32, #tpu.memory_space<vmem>> -> memref<1x128xi32, #tpu.memory_space<vmem>>
    %dma_wait3A_604 = tpu.memref_squeeze %dma_wait3A_603 : memref<1x128xi32, #tpu.memory_space<vmem>> -> memref<128xi32, #tpu.memory_space<vmem>>
    %dma_wait3A_605 = arith.constant 0 : i32
    %dma_wait3A_606 = tpu.memref_slice %arg2[%dma_wait3A_605] : memref<16384000xf32, #tpu.memory_space<hbm>> -> memref<16384000xf32, #tpu.memory_space<hbm>>
    tpu.wait_indirect_dma semaphore(%arg8 : memref<!tpu.dma_semaphore, #tpu.memory_space<semaphore_mem>>) src(%dma_wait3A_606 : memref<16384000xf32, #tpu.memory_space<hbm>>) dst(%dma_wait3A_601 : memref<128xf32, #tpu.memory_space<vmem>>)
    "tpu.region"() ({
      %run_scoped3A = tpu.sem_alloc : memref<!tpu.dma_semaphore, #tpu.memory_space<semaphore_mem>>
      %dma_start3A_607 = tpu.memref_slice %arg4[%mul3A_2] : memref<16384xf32, #tpu.memory_space<hbm>> -> memref<512xf32, #tpu.memory_space<hbm>>
      %dma_start3A_608 = tpu.memref_slice %arg4[%mul3A_2] : memref<16384xf32, #tpu.memory_space<hbm>> -> memref<512xf32, #tpu.memory_space<hbm>>
      tpu.enqueue_dma source(%arg7 : memref<512xf32, #tpu.memory_space<vmem>>) target(%dma_start3A_608 : memref<512xf32, #tpu.memory_space<hbm>>) target_semaphore(%run_scoped3A : memref<!tpu.dma_semaphore, #tpu.memory_space<semaphore_mem>>)
      %dma_wait3A_609 = tpu.memref_slice %arg4[%mul3A_2] : memref<16384xf32, #tpu.memory_space<hbm>> -> memref<512xf32, #tpu.memory_space<hbm>>
      %dma_wait3A_610 = tpu.memref_slice %arg4[%mul3A_2] : memref<16384xf32, #tpu.memory_space<hbm>> -> memref<512xf32, #tpu.memory_space<hbm>>
      tpu.wait_dma2 semaphore(%run_scoped3A : memref<!tpu.dma_semaphore, #tpu.memory_space<semaphore_mem>>) src(%arg7 : memref<512xf32, #tpu.memory_space<vmem>>) dst(%dma_wait3A_610 : memref<512xf32, #tpu.memory_space<hbm>>)
      tpu.yield
    }) : () -> ()
    return
  }
}

module attributes {stable_mosaic.version = 14 : i64} {
  func.func @_tc_select(%arg0: memref<8x1x2048xf32, #tpu.memory_space<vmem>>, %arg1: memref<8x1x2048xf32, #tpu.memory_space<vmem>>, %arg2: memref<1x1xf32, #tpu.memory_space<smem>>) attributes {dimension_semantics = [], scalar_prefetch = 0 : i64, scratch_operands = 0 : i64, tpu.core_type = #tpu.core_type<tc>} {
    %get3A = arith.constant 0 : index
    %get3A_0 = arith.constant 0 : index
    %get3A_1 = arith.constant 0 : index
    %get3A_2 = vector.load %arg0[%get3A, %get3A_0, %get3A_1] : memref<8x1x2048xf32, #tpu.memory_space<vmem>>, vector<8x1x2048xf32>
    %get3A_3 = arith.constant 0 : index
    %get3A_4 = arith.constant 0 : index
    %get3A_5 = arith.constant 0 : index
    %get3A_6 = vector.load %arg1[%get3A_3, %get3A_4, %get3A_5] : memref<8x1x2048xf32, #tpu.memory_space<vmem>>, vector<8x1x2048xf32>
    %sub3A = arith.subf %get3A_2, %get3A_6 : vector<8x1x2048xf32>
    %add3A = arith.constant 0.000000e+00 : f32
    %add3A_7 = vector.broadcast %add3A : f32 to vector<8x1x2048xf32>
    %add3A_8 = arith.addf %sub3A, %add3A_7 : vector<8x1x2048xf32>
    %bitcast_convert_type3A = tpu.bitcast %add3A_8 : vector<8x1x2048xf32> -> vector<8x1x2048xi32>
    %lt3A = arith.constant 0 : i32
    %lt3A_9 = vector.broadcast %lt3A : i32 to vector<8x1x2048xi32>
    %lt3A_10 = arith.cmpi slt, %bitcast_convert_type3A, %lt3A_9 : vector<8x1x2048xi32>
    %xor3A = arith.constant 2147483647 : i32
    %xor3A_11 = vector.broadcast %xor3A : i32 to vector<8x1x2048xi32>
    %xor3A_12 = arith.xori %bitcast_convert_type3A, %xor3A_11 : vector<8x1x2048xi32>
    %select_n3A = arith.select %lt3A_10, %xor3A_12, %bitcast_convert_type3A : vector<8x1x2048xi1>, vector<8x1x2048xi32>
    %scan3A = arith.constant -2147483648 : i32
    %scan3A_13 = arith.constant 0 : i32
    %scan3A_14 = arith.constant 0 : i32
    %scan3A_15 = arith.constant 32 : i32
    %scan3A_16 = arith.addi %scan3A_14, %scan3A_15 : i32
    %scan3A_17 = arith.constant 1 : i32
    %scan3A_18 = scf.for %scan3A_37 = %scan3A_14 to %scan3A_16 step %scan3A_17 iter_args(%scan3A_38 = %scan3A_13) -> (i32)  : i32 {
      %sub3A_39 = arith.constant 31 : i32
      %sub3A_40 = arith.subi %sub3A_39, %scan3A_37 : i32
      %shift_left3A = arith.constant 1 : i32
      %shift_left3A_41 = arith.shli %shift_left3A, %sub3A_40 : i32
      %or3A = arith.ori %scan3A_38, %shift_left3A_41 : i32
      %xor3A_42 = arith.xori %or3A, %scan3A : i32
      %lt3A_43 = vector.broadcast %xor3A_42 : i32 to vector<8x1x2048xi32>
      %lt3A_44 = arith.cmpi slt, %select_n3A, %lt3A_43 : vector<8x1x2048xi32>
      %convert_element_type3A_45 = arith.extui %lt3A_44 : vector<8x1x2048xi1> to vector<8x1x2048xi32>
      %reduce_sum3A_46 = vector.shape_cast %convert_element_type3A_45 : vector<8x1x2048xi32> to vector<1x8x1x2048xi32>
      %reduce_sum3A_47 = arith.constant dense<0> : vector<1xi32>
      %reduce_sum3A_48 = vector.multi_reduction <add>, %reduce_sum3A_46, %reduce_sum3A_47 [1, 2, 3] : vector<1x8x1x2048xi32> to vector<1xi32>
      %reduce_sum3A_49 = vector.shape_cast %reduce_sum3A_48 : vector<1xi32> to vector<1x1x1x1xi32>
      %reduce_sum3A_50 = vector.extract %reduce_sum3A_49[0, 0, 0, 0] : i32 from vector<1x1x1x1xi32>
      %le3A = arith.constant 4916 : i32
      %le3A_51 = arith.cmpi sle, %reduce_sum3A_50, %le3A : i32
      %select_n3A_52 = arith.select %le3A_51, %or3A, %scan3A_38 : i32
      scf.yield %select_n3A_52 : i32
    }
    %scan3A_19 = arith.constant 32 : i32
    %xor3A_20 = arith.constant -2147483648 : i32
    %xor3A_21 = arith.xori %scan3A_18, %xor3A_20 : i32
    %ge3A = vector.broadcast %xor3A_21 : i32 to vector<8x1x2048xi32>
    %ge3A_22 = arith.cmpi sge, %select_n3A, %ge3A : vector<8x1x2048xi32>
    %convert_element_type3A = arith.extui %ge3A_22 : vector<8x1x2048xi1> to vector<8x1x2048xi32>
    %convert_element_type3A_23 = arith.sitofp %convert_element_type3A : vector<8x1x2048xi32> to vector<8x1x2048xf32>
    %mul3A = arith.mulf %add3A_8, %convert_element_type3A_23 : vector<8x1x2048xf32>
    %reduce_sum3A = vector.shape_cast %mul3A : vector<8x1x2048xf32> to vector<1x8x1x2048xf32>
    %reduce_sum3A_24 = arith.constant dense<0.000000e+00> : vector<1xf32>
    %reduce_sum3A_25 = vector.multi_reduction <add>, %reduce_sum3A, %reduce_sum3A_24 [1, 2, 3] : vector<1x8x1x2048xf32> to vector<1xf32>
    %reduce_sum3A_26 = vector.shape_cast %reduce_sum3A_25 : vector<1xf32> to vector<1x1x1x1xf32>
    %reduce_sum3A_27 = vector.extract %reduce_sum3A_26[0, 0, 0, 0] : f32 from vector<1x1x1x1xf32>
    %reduce_sum3A_28 = vector.shape_cast %convert_element_type3A_23 : vector<8x1x2048xf32> to vector<1x8x1x2048xf32>
    %reduce_sum3A_29 = arith.constant dense<0.000000e+00> : vector<1xf32>
    %reduce_sum3A_30 = vector.multi_reduction <add>, %reduce_sum3A_28, %reduce_sum3A_29 [1, 2, 3] : vector<1x8x1x2048xf32> to vector<1xf32>
    %reduce_sum3A_31 = vector.shape_cast %reduce_sum3A_30 : vector<1xf32> to vector<1x1x1x1xf32>
    %reduce_sum3A_32 = vector.extract %reduce_sum3A_31[0, 0, 0, 0] : f32 from vector<1x1x1x1xf32>
    %add3A_33 = arith.constant 9.99999993E-9 : f32
    %add3A_34 = arith.addf %reduce_sum3A_32, %add3A_33 : f32
    %div3A = arith.divf %reduce_sum3A_27, %add3A_34 : f32
    %swap3A = arith.constant 0 : index
    %swap3A_35 = arith.constant 0 : index
    %swap3A_36 = memref.load %arg2[%swap3A, %swap3A_35] : memref<1x1xf32, #tpu.memory_space<smem>>
    memref.store %div3A, %arg2[%swap3A, %swap3A_35] : memref<1x1xf32, #tpu.memory_space<smem>>
    return
  }
}

module attributes {stable_mosaic.version = 14 : i64} {
  func.func @_tc_stream(%arg0: i32, %arg1: memref<2048x1000xf32, #tpu.memory_space<vmem>>, %arg2: memref<1x1x2048xf32, #tpu.memory_space<vmem>>) attributes {dimension_semantics = [#tpu.dimension_semantics<arbitrary>], iteration_bounds = array<i64: 8>, scalar_prefetch = 0 : i64, scratch_operands = 0 : i64, tpu.core_type = #tpu.core_type<tc>, window_params = [{transform_indices = @transform_0, window_bounds = array<i64: 2048, 1000>}, {transform_indices = @transform_1, window_bounds = array<i64: 1, 1, 2048>}]} {
    %get3A = arith.constant 0 : index
    %get3A_0 = arith.constant 0 : index
    %get3A_1 = vector.load %arg1[%get3A, %get3A_0] : memref<2048x1000xf32, #tpu.memory_space<vmem>>, vector<2048x1000xf32>
    %reduce_max3A = arith.constant dense<0xFF800000> : vector<2048xf32>
    %reduce_max3A_2 = vector.multi_reduction <maximumf>, %get3A_1, %reduce_max3A [1] : vector<2048x1000xf32> to vector<2048xf32>
    %broadcast_in_dim3A = vector.shape_cast %reduce_max3A_2 : vector<2048xf32> to vector<2048x1xf32>
    %sub3A = vector.broadcast %broadcast_in_dim3A : vector<2048x1xf32> to vector<2048x1000xf32>
    %sub3A_3 = arith.subf %get3A_1, %sub3A : vector<2048x1000xf32>
    %exp3A = math.exp %sub3A_3 : vector<2048x1000xf32>
    %reduce_sum3A = arith.constant dense<0.000000e+00> : vector<2048xf32>
    %reduce_sum3A_4 = vector.multi_reduction <add>, %exp3A, %reduce_sum3A [1] : vector<2048x1000xf32> to vector<2048xf32>
    %squeeze3A = vector.shape_cast %broadcast_in_dim3A : vector<2048x1xf32> to vector<2048xf32>
    %log3A = math.log %reduce_sum3A_4 : vector<2048xf32>
    %add3A = arith.addf %squeeze3A, %log3A : vector<2048xf32>
    %swap3A = arith.constant 0 : index
    %swap3A_5 = arith.constant 0 : index
    %swap3A_6 = arith.constant 0 : index
    %swap3A_7 = vector.load %arg2[%swap3A, %swap3A_5, %swap3A_6] : memref<1x1x2048xf32, #tpu.memory_space<vmem>>, vector<1x1x2048xf32>
    %swap3A_8 = vector.shape_cast %swap3A_7 : vector<1x1x2048xf32> to vector<2048xf32>
    %swap3A_9 = vector.shape_cast %add3A : vector<2048xf32> to vector<1x1x2048xf32>
    tpu.vector_store %arg2[%swap3A, %swap3A_5, %swap3A_6], %swap3A_9 {strides = array<i32>} : memref<1x1x2048xf32, #tpu.memory_space<vmem>>, vector<1x1x2048xf32>,
    return
  }
  func.func @transform_0(%arg0: i32) -> (i32, i32) {
    %c0_i32 = arith.constant 0 : i32
    %c0_i32_0 = arith.constant 0 : i32
    return %arg0, %c0_i32 : i32, i32
  }
  func.func @transform_1(%arg0: i32) -> (i32, i32, i32) {
    %c0_i32 = arith.constant 0 : i32
    %c0_i32_0 = arith.constant 0 : i32
    %c0_i32_1 = arith.constant 0 : i32
    return %arg0, %c0_i32, %c0_i32_0 : i32, i32, i32
  }
}

</mosaic_0001>

<sc_bundles>
// kernel: kernel.5.cloned.1.call-start
scs
__scs_entry_jumppad:
0x0: {  	(pc) =	sbr.rel $0x88, $3  }
0x1: {  	(tag) =	ssettag $0x0;
	lr =	simm.s32 $0x1  }
0x2: {  	[smem:$0x3F9F] =	sst lr;
	_ =	strace $0xD0000000  }
0x3: {  	_ = 	snop  }
0x4: {  	_ = 	snop  }
0x5: {  	_ = 	snop  }
0x6: {  	_ = 	snop  }
0x7: {  	_ = 	snop  }
__scs_overlays_trampoline_lowered:
0x8: {  	[smem:$0x3FAE] =	sst s0  }
0x9: {  	[smem:$0x3FAF] =	sst s1  }
0xa: {  	[smem:$0x3FB0] =	sst s2  }
0xb: {  	[smem:$0x3FB1] =	sst s3  }
0xc: {  	[smem:$0x3FB2] =	sst s4  }
0xd: {  	[smem:$0x3FB3] =	sst s5  }
0xe: {  	[smem:$0x3FB4] =	sst s6  }
0xf: {  	[smem:$0x3FB5] =	sst s7  }
0x10: {  	[smem:$0x3FB6] =	sst s8  }
0x11: {  	[smem:$0x3FB7] =	sst s9;
	s0 =	simm.s32 @!p0 $0x0  }
0x12: {  	s1 =	sld [smem:$0x3F9D];
	s0 =	simm.s32 @p0 $0x1  }
0x13: {  	[smem:$0x3FB8] =	sst s0;
	s0 =	simm.s32 @!p1 $0x0  }
0x14: {  	s2 =	sld [smem:$0x3F9C];
	s0 =	simm.s32 @p1 $0x1  }
0x15: {  	[smem:$0x3FB9] =	sst s0;
	s0 =	simm.s32 @!p2 $0x0  }
0x16: {  	s3 =	sld [smem:$0x3FDB];
	s0 =	simm.s32 @p2 $0x1  }
0x17: {  	s4 =	simm.s32 $0x1BF5;
	[smem:$0x3FBB] =	sst s0  }
0x18: {  	s0 =	sld [smem:$0x3F9E];
	_ =	swait.ge [sflag:s4], $0x0  }
0x19: {  	s7 =	sld [smem:$0x3F9F]  }
0x1a: {  	s8 =	sadd.s32 $0xFFFFE003, lr  }
0x1b: {  	s9 =	sadd.s32 $0xFFFFFEF7, lr;
	s5 =	simm.s32 $0xFFFFFFFF;
	p2 =	slt.u32 s8, $0xFFFFF086  }
0x1c: {  	p1 =	slt.u32 s9, $0xF7A;
	s5 =	simm.s32 @!p2 $0x0  }
0x1d: {  	s5 =	simm.s32 @p1 $0x1;
	p0 =	seq.s32 s7, s2  }
0x1e: {  	s7 =	smul.u32 @!p0 $0xF7A, s2;
	p2 =	seq.s32 @!p0 s5, $0x0  }
0x1f: {  	s9 =	smul.u32 $0xF7A, s1;
	s8 =	simm.s32 @!p0 $0x1BF5;
	p2 =	por !p2, p0  }
0x20: {  	[sflag:s8] =	ssyncset.s32 @!p0 $0xFFFFF086;
	s6 =	sadd.s32 @!p0 s3, s7;
	s7 =	simm.s32 @!p0 $0x108  }
0x21: {  	s3 =	sadd.s32 s3, s9;
	s6 =	sadd.s32 @!p0 $0x88, s6;
	s7 =	simm.s32 @p2 $0x1082  }
0x22: {  	[simem:s7], [sflag:s8] =	dma.local @!p0 [hbm:s6], $0xF7A  }
0x23: {  	s9 =	sor.u32 $0xD0000000, s2;
	s6 =	simm.s32 $0x108;
	_ =	swait.ge @!p0 [sflag:s8], $0x0  }
0x24: {  	s3 =	sadd.s32 $0x88, s3;
	s6 =	simm.s32 @!p1 $0x1082;
	[sflag:s4] =	ssyncset.s32 $0xFFFFF086  }
0x25: {  	[simem:s6], [sflag:s4] =	dma.local [hbm:s3], $0xF7A  }
0x26: {  	[smem:$0x3F9F] =	sst s1;
	(tag) =	ssettag s2;
	_ =	strace s9  }
0x27: {  	s1 =	sld [smem:$0x3FAF]  }
0x28: {  	s2 =	sld [smem:$0x3FB0]  }
0x29: {  	s4 =	sld [smem:$0x3FB2]  }
0x2a: {  	p0 =	seq.s32 s5, $0x0;
	s5 =	sld [smem:$0x3FB3]  }
0x2b: {  	s6 =	sld [smem:$0x3FB4]  }
0x2c: {  	s7 =	sld [smem:$0x3FB5]  }
0x2d: {  	s3 =	simm.s32 $0x108;
	s8 =	sld [smem:$0x3FB6]  }
0x2e: {  	s3 =	simm.s32 @!p0 $0x1082;
	s9 =	sld [smem:$0x3FB7]  }
0x2f: {  	lr =	sadd.s32 s0, s3;
	s0 =	sld [smem:$0x3FAE]  }
0x30: {  	s3 =	sld [smem:$0x3FB1]  }
0x31: {  	[smem:$0x3FBA] =	sst s10  }
0x32: {  	s10 =	sld [smem:$0x3FB8];
	_ =	sdelay $0x3  }
0x33: {  	p0 =	seq.s32 s10, $0x1;
	s10 =	sld [smem:$0x3FBA];
	_ =	sdelay $0x3  }
0x34: {  	[smem:$0x3FBA] =	sst s10  }
0x35: {  	s10 =	sld [smem:$0x3FB9];
	_ =	sdelay $0x3  }
0x36: {  	p1 =	seq.s32 s10, $0x1;
	s10 =	sld [smem:$0x3FBA];
	_ =	sdelay $0x3  }
0x37: {  	[smem:$0x3FBA] =	sst s10  }
0x38: {  	s10 =	sld [smem:$0x3FBB]  }
0x39: {  	_ = 	snop;
	(pc) =	sbr.ind lr, $3  }
0x3a: {  	_ = 	snop  }
0x3b: {  	_ = 	snop  }
0x3c: {  	p2 =	seq.s32 s10, $0x1;
	s10 =	sld [smem:$0x3FBA]  }
0x3d: {  	_ =	shalt  }
0x3e: {  	_ =	shalt  }
0x3f: {  	_ =	shalt  }
0x40: {  	_ =	shalt  }
0x41: {  	_ =	shalt  }
0x42: {  	_ =	shalt  }
0x43: {  	_ =	shalt  }
0x44: {  	_ =	shalt  }
0x45: {  	_ =	shalt  }
0x46: {  	_ =	shalt  }
0x47: {  	_ =	shalt  }
0x48: {  	_ =	shalt  }
0x49: {  	_ =	shalt  }
0x4a: {  	_ =	shalt  }
0x4b: {  	_ =	shalt  }
0x4c: {  	_ =	shalt  }
0x4d: {  	_ =	shalt  }
0x4e: {  	_ =	shalt  }
0x4f: {  	_ =	shalt  }
0x50: {  	_ =	shalt  }
0x51: {  	_ =	shalt  }
0x52: {  	_ =	shalt  }
0x53: {  	_ =	shalt  }
0x54: {  	_ =	shalt  }
0x55: {  	_ =	shalt  }
0x56: {  	_ =	shalt  }
0x57: {  	_ =	shalt  }
0x58: {  	_ =	shalt  }
0x59: {  	_ =	shalt  }
0x5a: {  	_ =	shalt  }
0x5b: {  	_ =	shalt  }
0x5c: {  	_ =	shalt  }
0x5d: {  	_ =	shalt  }
0x5e: {  	_ =	shalt  }
0x5f: {  	_ =	shalt  }
0x60: {  	_ =	shalt  }
0x61: {  	_ =	shalt  }
0x62: {  	_ =	shalt  }
0x63: {  	_ =	shalt  }
0x64: {  	_ =	shalt  }
0x65: {  	_ =	shalt  }
0x66: {  	_ =	shalt  }
0x67: {  	_ =	shalt  }
0x68: {  	_ =	shalt  }
0x69: {  	_ =	shalt  }
0x6a: {  	_ =	shalt  }
0x6b: {  	_ =	shalt  }
0x6c: {  	_ =	shalt  }
0x6d: {  	_ =	shalt  }
0x6e: {  	_ =	shalt  }
0x6f: {  	_ =	shalt  }
0x70: {  	_ =	shalt  }
0x71: {  	_ =	shalt  }
0x72: {  	_ =	shalt  }
0x73: {  	_ =	shalt  }
0x74: {  	_ =	shalt  }
0x75: {  	_ =	shalt  }
0x76: {  	_ =	shalt  }
0x77: {  	_ =	shalt  }
0x78: {  	_ =	shalt  }
0x79: {  	_ =	shalt  }
0x7a: {  	_ =	shalt  }
0x7b: {  	_ =	shalt  }
0x7c: {  	_ =	shalt  }
0x7d: {  	_ =	shalt  }
0x7e: {  	_ =	shalt  }
0x7f: {  	_ =	shalt  }
0x80: {  	_ =	shalt  }
0x81: {  	_ =	shalt  }
0x82: {  	_ =	shalt  }
0x83: {  	_ =	shalt  }
0x84: {  	_ =	shalt  }
0x85: {  	_ =	shalt  }
0x86: {  	_ =	shalt  }
0x87: {  	_ =	shalt  }
.Lfunc_end0:
.L_simem_size_0:
called_computation_lowered:
.L_overlay_start_0:
0x88: {  	s2 =	sld [smem:$0x3FD9]  }
0x89: {  	s3 =	sld [smem:$0x3FFE];
	_ =	sdelay $0x1  }
0x8a: {  	s1 =	srdreg.scid  }
0x8b: {  	s0 =	sand.u32 $0x1, s1  }
0x8c: {  	s17 =	sshll.u32 s0, $0xA;
	s2 =	sadd.s32 s3, s2  }
0x8d: {  	s2 =	sadd.s32 s2, s17  }
0x8e: {  	[smem:$0x3FC6] =	sst s2  }
0x8f: {  	_ = 	snop  }
0x90: {  	s2 =	sld [smem:$0x3FC8];
	(tm) =	ssettm $0x1  }
0x91: {  	s18 =	sld [smem:$0x3FFB];
	_ =	sdelay $0x3  }
0x92: {  	_ =	strace s18  }
0x93: {  	s3 =	sld [smem:$0x3FFC];
	_ =	sdelay $0x3  }
0x94: {  	_ =	strace s3  }
0x95: {  	s3 =	sld [smem:$0x3FFD];
	_ =	sdelay $0x3  }
0x96: {  	_ =	strace s3  }
0x97: {  	_ =	strace $0x8FFFFFFF  }
0x98: {  	s19 =	sld [smem:$0x3FDB];
	_ =	sdelay $0x1  }
0x99: {  	s4 =	simm.s32 $_scs_section_size  }
0x9a: {  	s5 =	simm.s32 $_size__tile_overlayer_lowered;
	s6 =	simm.s32 $_tile_overlayer_lowered  }
0x9b: {  	s22 =	simm.s32 $0x1BFF;
	s21 =	sshll.u32 s6, $0x1;
	s3 =	sadd.s32 s4, s19  }
0x9c: {  	s7 =	simm.s32 $0x0;
	s20 =	sshll.u32 s5, $0x1;
	s5 =	sadd.s32 s21, s3  }
0x9d: {  	[timem:s7], [sflag:s22] =	dma.local [hbm:s5], s20  }
0x9e: {  	_ =	swait.ge [sflag:s22], s20  }
0x9f: {  	s4 =	ssub.s32 $0x0, s20;
	[sflag:s22] =	ssyncset.done $0x0  }
0xa0: {  	[sflag:s22] =	ssyncadd.s32 s4;
	_ =	sdelay $0x1  }
0xa1: {  	s23 =	simm.s32 $0x1B8B  }
0xa2: {  	_ =	swait.ge [sflag:s23], $0x1  }
0xa3: {  	[sflag:s23] =	ssyncset.done $0x0  }
0xa4: {  	s25 =	simm.s32 $0x1B8E;
	s24 =	sld [smem:$0x3FFE];
	[sflag:s23] =	ssyncadd.s32 $0xFFFFFFFF  }
0xa5: {  	s26 =	simm.s32 $execute0_lowered;
	[smem:$0x3FD2] =	sst s25  }
0xa6: {  	s5 =	sshll.u32 s26, $0x1;
	_ =	strace $0x80000046;
	[dreg:$0x1] =	wrdreg $0xFFFFFFFF  }
0xa7: {  	s28 =	simm.s32 $_size_execute0_lowered;
	s3 =	sadd.s32 s3, s5;
	[dreg:$0x0] =	wrdreg $0x0  }
0xa8: {  	s5 =	sshll.u32 s28, $0x1;
	[dreg:$0x2] =	wrdreg s3  }
0xa9: {  	[dreg:$0x3] =	wrdreg s5  }
0xaa: {  	[dreg:$0x4] =	wrdreg $0xC0  }
0xab: {  	_ =	task [dreg:s7], $0x5FFFF  }
0xac: {  	[dreg:$0x1] =	wrdreg $0xFFFFFFFF  }
0xad: {  	[dreg:$0x0] =	wrdreg $0x60  }
0xae: {  	[dreg:$0x2] =	wrdreg s24  }
0xaf: {  	[dreg:$0x3] =	wrdreg s2  }
0xb0: {  	[dreg:$0x4] =	wrdreg $0x9  }
0xb1: {  	_ =	task.clear_ibuf [dreg:s7], $0x5FFFF;
	_ =	strace $0x90000046  }
0xb2: {  	s29 =	simm.s32 $0x9;
	_ =	strace $0x80000048  }
0xb3: {  	_ =	swait.ge [sflag:s29], $0x1  }
0xb4: {  	[sflag:s29] =	ssyncadd.s32 $0xFFFFFFFF  }
0xb5: {  	_ =	strace $0x90000048  }
0xb6: {  	_ =	sfence  }
0xb7: {  	s30 =	sld [smem:$0x0];
	_ =	sdelay $0x2  }
0xb8: {  	s31 =	sshll.u32 s1, $0xD;
	s1 =	sshrl.u32 s1, $0x2  }
0xb9: {  	s3 =	sand.u32 $0x4000, s31;
	s1 =	sadd.s32 s1, s30  }
0xba: {  	s0 =	sor.u32 s3, s0;
	s1 =	sshll.u32 s1, $0x11  }
0xbb: {  	s0 =	sor.u32 s1, s0  }
0xbc: {  	s0 =	sadd.s32 $0x8F2B, s0  }
0xbd: {  	[sflag:s0] =	ssyncadd.remote.s32 $0x1  }
0xbe: {  	_ =	sfence.sel $0xFFFF  }
0xbf: {  	[dreg:$0x0] =	wrdreg $0xFFFFFFFF;
	(pc) =	sbr.abs _section_cstart, $3  }
0xc0: {  	[dreg:$0x1] =	wrdreg $0xFFFFFFFF  }
0xc1: {  	_ =	task.clear_ibuf [dreg:s7], $0x2FFFF;
	_ =	strace $0x9FFFFFFF  }
0xc2: {  	(tm) =	ssettm $0x7FFFFFFF  }
0xc3: {  	_ =	shalt  }
tec
execute0_lowered:
.L_overlay_start_1:
0x0: {  	(tag) =	ssettag $0x1  }
0x1: {  	s1 =	srdreg.scid  }
0x2: {  	s0 =	stileid.u32;
	s3 =	sand.u32 $0x1, s1  }
0x3: {  	s29 =	sshll.u32 s0, $0xA;
	s2 =	sshll.u32 s3, $0x9  }
0x4: {  	s4 =	sor.u32 s2, s29  }
0x5: {  	v3 =	vlaneseq.u32;
	s1 =	sor.u32 $0x10, s4  }
0x6: {  	v29 =	vmul.u32 $0x3E8, v3;
	v0 =	vmov s4;
	s30 =	sor.u32 $0x20, s4;
	s31 =	sor.u32 $0x30, s4;
	v1 =	vmov s1  }
0x7: {  	s2 =	sor.u32 $0x40, s4;
	s7 =	sor.u32 $0x80, s4;
	s9 =	sor.u32 $0xA0, s4;
	v0 =	vmul.u32 $0x3E8, v0;
	v2 =	vmov s30;
	v3 =	vmov s31  }
0x8: {  	s10 =	sor.u32 $0xB0, s4;
	s13 =	sor.u32 $0xE0, s4;
	s15 =	sor.u32 $0x100, s4;
	v4 =	vmov s2;
	v7 =	vmov s7;
	v9 =	vmov s9  }
0x9: {  	s16 =	sor.u32 $0x110, s4;
	s18 =	sor.u32 $0x130, s4;
	s19 =	sor.u32 $0x140, s4;
	v11 =	vmov s10;
	v15 =	vmov s13;
	v16 =	vmov s15  }
0xa: {  	s21 =	sor.u32 $0x160, s4;
	s22 =	sor.u32 $0x170, s4;
	s28 =	sor.u32 $0x1C0, s4;
	v18 =	vmov s16;
	v19 =	vmov s18;
	v21 =	vmov s19  }
0xb: {  	s29 =	sor.u32 $0x1D0, s4;
	v22 =	vmov s21;
	v23 =	vmov s22;
	v28 =	vmov s28  }
0xc: {  	s2 =	sor.u32 $0x50, s4;
	v30 =	vmov s29;
	v1 =	vmul.u32 $0x3E8, v1;
	v2 =	vmul.u32 $0x3E8, v2  }
0xd: {  	v3 =	vmul.u32 $0x3E8, v3;
	v4 =	vmul.u32 $0x3E8, v4;
	v5 =	vmov s2  }
0xe: {  	v10 =	vmul.u32 $0x3E8, v9;
	v16 =	vmul.u32 $0x3E8, v16;
	v19 =	vmul.u32 $0x3E8, v19  }
0xf: {  	v21 =	vmul.u32 $0x3E8, v21;
	v0 =	vbroadcast v0, $0x0;
	v1 =	vbroadcast v1, $0x0  }
0x10: {  	v22 =	vmul.u32 $0x3E8, v22;
	v23 =	vmul.u32 $0x3E8, v23;
	v2 =	vbroadcast v2, $0x0  }
0x11: {  	v8 =	vadd.s32 v29, v0;
	v0 =	vadd.s32 v29, v1;
	v1 =	vmul.u32 $0x3E8, v5  }
0x12: {  	s5 =	sor.u32 $0x60, s4;
	s6 =	sor.u32 $0x70, s4;
	v14 =	vadd.s32 v29, v2;
	v2 =	vbroadcast v3, $0x0;
	v3 =	vbroadcast v4, $0x0  }
0x13: {  	v5 =	vmov s6;
	v4 =	vbroadcast v1, $0x0;
	v1 =	vmov s5  }
0x14: {  	v28 =	vmul.u32 $0x3E8, v28;
	v5 =	vmul.u32 $0x3E8, v5;
	v6 =	vmul.u32 $0x3E8, v1  }
0x15: {  	s8 =	sor.u32 $0x90, s4;
	v30 =	vmul.u32 $0x3E8, v30;
	v1 =	vadd.s32 v29, v2;
	v2 =	vmul.u32 $0x3E8, v7  }
0x16: {  	s30 =	sor.u32 $0x1E0, s4;
	v5 =	vbroadcast v5, $0x0;
	v7 =	vmov s8;
	v6 =	vbroadcast v6, $0x0  }
0x17: {  	s31 =	sor.u32 $0x1F0, s4;
	v31 =	vmov s30;
	v7 =	vmul.u32 $0x3E8, v7;
	v2 =	vbroadcast v2, $0x0  }
0x18: {  	v32 =	vmov s31;
	v9 =	vadd.s32 v29, v5;
	v12 =	vadd.s32 v29, v6  }
0x19: {  	s11 =	sor.u32 $0xC0, s4;
	s12 =	sor.u32 $0xD0, s4;
	v6 =	vmul.u32 $0x3E8, v11;
	v5 =	vadd.s32 v29, v2;
	v2 =	vbroadcast v7, $0x0  }
0x1a: {  	v7 =	vbroadcast v10, $0x0;
	v10 =	vmov s11;
	v11 =	vmov s12  }
0x1b: {  	v31 =	vmul.u32 $0x3E8, v31;
	v10 =	vmul.u32 $0x3E8, v10;
	v11 =	vmul.u32 $0x3E8, v11  }
0x1c: {  	s14 =	sor.u32 $0xF0, s4;
	v16 =	vbroadcast v16, $0x0;
	v13 =	vadd.s32 v29, v7;
	v7 =	vmul.u32 $0x3E8, v15  }
0x1d: {  	v15 =	vmov s14;
	v10 =	vbroadcast v10, $0x0;
	v11 =	vbroadcast v11, $0x0  }
0x1e: {  	v19 =	vbroadcast v19, $0x0;
	v28 =	vbroadcast v28, $0x0;
	v17 =	vmul.u32 $0x3E8, v15  }
0x1f: {  	v15 =	vadd.s32 v29, v10;
	v10 =	vadd.s32 v29, v11;
	v11 =	vmul.u32 $0x3E8, v18  }
0x20: {  	s17 =	sor.u32 $0x120, s4;
	v32 =	vmul.u32 $0x3E8, v32;
	v30 =	vbroadcast v30, $0x0;
	v34 =	vbroadcast v31, $0x0  }
0x21: {  	v17 =	vbroadcast v17, $0x0;
	v18 =	vbroadcast v11, $0x0;
	v11 =	vmov s17  }
0x22: {  	v35 =	vbroadcast v32, $0x0;
	v16 =	vadd.s32 v29, v16;
	v20 =	vmul.u32 $0x3E8, v11  }
0x23: {  	s20 =	sor.u32 $0x150, s4;
	s23 =	sor.u32 $0x1A0, s4;
	v24 =	vadd.s32 v29, v19;
	v11 =	vadd.s32 v29, v17;
	v17 =	vadd.s32 v29, v18  }
0x24: {  	s24 =	sshrl.u32 s4, $0x3;
	s1 =	rddreg [dreg:$0x2];
	s2 =	simm.s32 $0x0;
	v18 =	vbroadcast v20, $0x0;
	v20 =	vbroadcast v21, $0x0;
	v21 =	vmov s20  }
0x25: {  	s9 =	ssub.s32 $0x2, s3;
	[smem:$0x7FF] =	sst s2;
	v28 =	vadd.s32 v29, v28;
	v31 =	vadd.s32 v29, v30;
	s8 =	sor.u32 $0x190, s4;
	v21 =	vmul.u32 $0x3E8, v21  }
0x26: {  	s7 =	sor.u32 $0x180, s4;
	s25 =	sshrl.u32 s9, $0x1;
	s6 =	rddreg [dreg:$0x1];
	v30 =	vadd.s32 v29, v34;
	v3 =	vadd.s32 v29, v3;
	v25 =	vmov s8  }
0x27: {  	s16 =	sadd.s32 s6, s24;
	s5 =	rddreg [dreg:$0x0];
	_ =	strace $0x80000047;
	v27 =	vmul.u32 $0x3E8, v25;
	v19 =	vadd.s32 v29, v20;
	v20 =	vbroadcast v21, $0x0  }
0x28: {  	[tilespmem:s2], [sflag:$0x2] =	stream.linear.gather [hbm4b:s16+s2], $0x200, $0x38;
	v21 =	vbroadcast v22, $0x0;
	v22 =	vbroadcast v23, $0x0;
	v23 =	vmov s7;
	[tilespmem:$0x600] =	vst v63  }
0x29: {  	s26 =	sor.u32 $0x1B0, s4;
	s8 =	ssub.s32 s9, s25;
	v25 =	vmov s23;
	v27 =	vbroadcast v27, $0x0;
	v26 =	vmul.u32 $0x3E8, v23  }
0x2a: {  	s10 =	simm.s32 $0x480;
	s13 =	simm.s32 $0x500;
	v6 =	vbroadcast v6, $0x0;
	s17 =	smax.u32 s8, $0x1;
	v23 =	vadd.s32 v29, v21;
	v21 =	vmul.u32 $0x3E8, v25  }
0x2b: {  	s15 =	simm.s32 $0x580;
	s4 =	simm.s32 $0x2;
	p0 =	sne.s32 s17, $0x1;
	v25 =	vadd.s32 v29, v22;
	v22 =	vbroadcast v26, $0x0;
	v26 =	vmov s26  }
.Ltmp0:
0x2c: {  	s6 =	simm.s32 $0x400;
	v4 =	vadd.s32 v29, v4;
	_ =	swait.ge [sflag:s4], $0x200;
	v7 =	vbroadcast v7, $0x0;
	v26 =	vmul.u32 $0x3E8, v26;
	(pc) =	sbr.rel @!p0 .LBB2_2-.Ltmp0, $4  }
0x2d: {  	s3 =	sadd.s32 $0x200600, s5;
	s5 =	sadd.s32 s24, s5;
	[sflag:s4] =	ssyncset.done $0x0;
	v2 =	vadd.s32 v29, v2;
	v27 =	vadd.s32 v29, v27;
	v6 =	vadd.s32 v29, v6  }
0x2e: {  	s5 =	sadd.s32 $0x3F4600, s5;
	s9 =	simm.s32 $0x280;
	[sflag:s4] =	ssyncadd.s32 $0xFFFFFE00;
	v7 =	vadd.s32 v29, v7;
	v21 =	vbroadcast v21, $0x0;
	v33 =	vbroadcast v26, $0x0  }
0x2f: {  	s11 =	simm.s32 $0x300;
	v32 =	vld [tilespmem:$0x130];
	s12 =	simm.s32 $0x1;
	s14 =	simm.s32 $0x380;
	v18 =	vadd.s32 v29, v18;
	v20 =	vadd.s32 v29, v20;
	v26 =	vadd.s32 v29, v22  }
0x30: {  	s8 =	simm.s32 $0x200;
	s17 =	sadd.s32 $0xFFFFFFFF, s17;
	s7 =	simm.s32 $0x80;
	v22 =	vadd.s32 v29, v21;
	v21 =	vadd.s32 v29, v33;
	v29 =	vadd.s32 v29, v35;
	v33 =	vld [tilespmem:$0x1C0]  }
.LBB2_1:
0x31: {  	p0 =	sne.s32 s17, $0x1;
	s17 =	sadd.s32 $0xFFFFFFFF, s17;
	v34 =	vld [tilespmem:$0x1D0]  }
0x32: {  	v35 =	vld [tilespmem:$0x1E0]  }
0x33: {  	v36 =	vld [tilespmem:$0x20]  }
0x34: {  	v37 =	vld [tilespmem:$0x0]  }
0x35: {  	v38 =	vld [tilespmem:$0x40]  }
0x36: {  	v34 =	vadd.s32 v34, v31;
	v39 =	vld [tilespmem:$0x1F0]  }
0x37: {  	v33 =	vadd.s32 v33, v28;
	v40 =	vld [tilespmem:$0x170];
	[tilespmem:$0x3D0] =	vst v34;
	v34 =	vadd.s32 v35, v30  }
0x38: {  	v32 =	vadd.s32 v32, v24;
	v35 =	vadd.s32 v36, v14;
	v36 =	vld [tilespmem:$0x190];
	[tilespmem:$0x3E0] =	vst v34  }
0x39: {  	v34 =	vadd.s32 v37, v8;
	[tilespmem:$0x220] =	vst v35;
	v35 =	vld [tilespmem:$0x180]  }
0x3a: {  	[tilespmem:$0x200] =	vst v34;
	v34 =	vld [tilespmem:$0x80]  }
0x3b: {  	v37 =	vld [tilespmem:$0x50];
	[tilespmem:$0x330] =	vst v32;
	v32 =	vadd.s32 v39, v29  }
0x3c: {  	v39 =	vld [tilespmem:$0x60];
	v40 =	vadd.s32 v40, v25;
	[tilespmem:$0x3C0] =	vst v33  }
0x3d: {  	v33 =	vld [tilespmem:$0x70];
	v36 =	vadd.s32 v36, v27;
	[tilespmem:$0x3F0] =	vst v32  }
0x3e: {  	v32 =	vadd.s32 v38, v3;
	v38 =	vld [tilespmem:$0x160];
	[tilespmem:$0x370] =	vst v40;
	v35 =	vadd.s32 v35, v26  }
0x3f: {  	v40 =	vld [tilespmem:$0x90];
	[tilespmem:$0x390] =	vst v36  }
0x40: {  	v36 =	vadd.s32 v37, v4;
	v37 =	vld [tilespmem:$0x150];
	[tilespmem:$0x380] =	vst v35  }
0x41: {  	[tilespmem:$0x240] =	vst v32;
	v32 =	vadd.s32 v39, v12;
	v35 =	vld [tilespmem:$0xA0]  }
0x42: {  	[tilespmem:$0x250] =	vst v36;
	v33 =	vadd.s32 v33, v9;
	v36 =	vld [tilespmem:$0x140]  }
0x43: {  	v39 =	vld [tilespmem:$0x30];
	[tilespmem:$0x260] =	vst v32;
	v32 =	vadd.s32 v34, v5;
	v34 =	vadd.s32 v38, v23  }
0x44: {  	[tilespmem:$0x270] =	vst v33;
	v33 =	vld [tilespmem:$0xB0]  }
0x45: {  	v38 =	vadd.s32 v40, v2;
	v40 =	vld [tilespmem:$0xC0];
	v37 =	vadd.s32 v37, v20;
	[tilespmem:$0x360] =	vst v34  }
0x46: {  	[tilespmem:$0x280] =	vst v32;
	v32 =	vadd.s32 v35, v13;
	v34 =	vld [tilespmem:$0x120]  }
0x47: {  	v35 =	vld [tilespmem:$0xD0];
	v36 =	vadd.s32 v36, v19;
	[tilespmem:$0x350] =	vst v37  }
0x48: {  	v37 =	vadd.s32 v39, v1;
	[tilespmem:$0x2A0] =	vst v32;
	v32 =	vld [tilespmem:$0x110]  }
0x49: {  	v33 =	vadd.s32 v33, v6;
	v39 =	vld [tilespmem:$0xE0];
	[tilespmem:$0x340] =	vst v36  }
0x4a: {  	[tilespmem:$0x230] =	vst v37;
	v36 =	vadd.s32 v40, v15;
	v37 =	vld [tilespmem:$0x100]  }
0x4b: {  	[tilespmem:$0x2B0] =	vst v33;
	v33 =	vadd.s32 v34, v18  }
0x4c: {  	[tilespmem:$0x2C0] =	vst v36;
	v34 =	vadd.s32 v35, v10;
	v35 =	vld [tilespmem:$0xF0]  }
0x4d: {  	v36 =	vld [tilespmem:$0x10];
	v32 =	vadd.s32 v32, v17;
	[tilespmem:$0x320] =	vst v33  }
0x4e: {  	[tilespmem:$0x2D0] =	vst v34;
	v33 =	vadd.s32 v39, v7;
	v34 =	vld [tilespmem:$0x1A0]  }
0x4f: {  	v37 =	vadd.s32 v37, v16;
	[tilespmem:$0x310] =	vst v32;
	v32 =	vld [tilespmem:$0x1B0]  }
0x50: {  	[tilespmem:$0x2E0] =	vst v33  }
0x51: {  	v33 =	vadd.s32 v35, v11;
	[tilespmem:$0x300] =	vst v37  }
0x52: {  	v35 =	vadd.s32 v36, v0;
	[tilespmem:$0x290] =	vst v38  }
0x53: {  	[tilespmem:$0x2F0] =	vst v33;
	v33 =	vadd.s32 v34, v22  }
0x54: {  	[tilespmem:$0x3A0] =	vst v33;
	v32 =	vadd.s32 v32, v21  }
0x55: {  	[tilespmem:$0x3B0] =	vst v32  }
0x56: {  	[tilespmem:$0x210] =	vst v35  }
0x57: {  	[tilespmem:s6], [sflag:$0x1] =	stream.indirect.gather [hbm4b:s3+s7], $0x1, s8, s7, $0xb8;
	[tilespmem:$0x600] =	vst v63  }
0x58: {  	_ = 	snop  }
0x59: {  	[tilespmem:s10], [sflag:$0x1] =	stream.indirect.gather [hbm4b:s3+s7], $0x1, s9, s7, $0xb8;
	[tilespmem:$0x600] =	vst v63  }
0x5a: {  	_ = 	snop  }
0x5b: {  	[tilespmem:s13], [sflag:$0x1] =	stream.indirect.gather [hbm4b:s3+s7], $0x1, s11, s7, $0xb8;
	[tilespmem:$0x600] =	vst v63  }
0x5c: {  	_ = 	snop  }
0x5d: {  	[tilespmem:s15], [sflag:$0x1] =	stream.indirect.gather [hbm4b:s3+s7], $0x1, s14, s7, $0xb8;
	[tilespmem:$0x600] =	vst v63  }
0x5e: {  	_ =	swait.ge [sflag:s12], $0x80  }
0x5f: {  	[sflag:s12] =	ssyncset.done $0x0  }
0x60: {  	[sflag:s12] =	ssyncadd.s32 $0xFFFFFF80  }
0x61: {  	_ =	swait.ge [sflag:s12], $0x80  }
0x62: {  	[sflag:s12] =	ssyncset.done $0x0  }
0x63: {  	[sflag:s12] =	ssyncadd.s32 $0xFFFFFF80  }
0x64: {  	_ =	swait.ge [sflag:s12], $0x80  }
0x65: {  	[sflag:s12] =	ssyncset.done $0x0  }
0x66: {  	[sflag:s12] =	ssyncadd.s32 $0xFFFFFF80  }
0x67: {  	_ =	swait.ge [sflag:s12], $0x80  }
0x68: {  	[sflag:s12] =	ssyncset.done $0x0  }
0x69: {  	[sflag:s12] =	ssyncadd.s32 $0xFFFFFF80  }
0x6a: {  	[hbm4b:s5+s2] =	stream.linear.scatter [tilespmem:s6], [sflag:$0x2], $0x200, $0x38;
	[tilespmem:$0x600] =	vst v63  }
0x6b: {  	_ =	swait.ge [sflag:s4], $0x200  }
0x6c: {  	[sflag:s4] =	ssyncset.done $0x0  }
0x6d: {  	[sflag:s4] =	ssyncadd.s32 $0xFFFFFE00  }
0x6e: {  	[tilespmem:s2], [sflag:$0x2] =	stream.linear.gather [hbm4b:s16+s2], $0x200, $0x38;
	[tilespmem:$0x600] =	vst v63  }
.Ltmp1:
0x6f: {  	_ =	swait.ge [sflag:s4], $0x200;
	(pc) =	sbr.rel @p0 .LBB2_1-.Ltmp1, $4  }
0x70: {  	[sflag:s4] =	ssyncset.done $0x0  }
0x71: {  	[sflag:s4] =	ssyncadd.s32 $0xFFFFFE00  }
0x72: {  	v32 =	vld [tilespmem:$0x130]  }
0x73: {  	v33 =	vld [tilespmem:$0x1C0]  }
.LBB2_2:
0x74: {  	v34 =	vld [tilespmem:$0x1D0]  }
0x75: {  	v35 =	vld [tilespmem:$0x1E0]  }
0x76: {  	v36 =	vld [tilespmem:$0x20]  }
0x77: {  	v37 =	vld [tilespmem:$0x0];
	v61 =	vadd.s32 v32, v24  }
0x78: {  	v58 =	vld [tilespmem:$0x1F0];
	v28 =	vadd.s32 v33, v28;
	[tilespmem:$0x330] =	vst v61  }
0x79: {  	v59 =	vld [tilespmem:$0x170];
	v31 =	vadd.s32 v34, v31;
	[tilespmem:$0x3C0] =	vst v28  }
0x7a: {  	v60 =	vld [tilespmem:$0x190];
	v30 =	vadd.s32 v35, v30;
	[tilespmem:$0x3D0] =	vst v31  }
0x7b: {  	v62 =	vld [tilespmem:$0x180];
	v14 =	vadd.s32 v36, v14;
	[tilespmem:$0x3E0] =	vst v30  }
0x7c: {  	v63 =	vld [tilespmem:$0x40];
	v8 =	vadd.s32 v37, v8;
	[tilespmem:$0x220] =	vst v14  }
0x7d: {  	v39 =	vld [tilespmem:$0xA0];
	v29 =	vadd.s32 v58, v29;
	[tilespmem:$0x200] =	vst v8  }
0x7e: {  	v42 =	vld [tilespmem:$0x30];
	v25 =	vadd.s32 v59, v25;
	[tilespmem:$0x3F0] =	vst v29  }
0x7f: {  	v45 =	vld [tilespmem:$0xB0];
	v27 =	vadd.s32 v60, v27;
	[tilespmem:$0x370] =	vst v25  }
0x80: {  	v46 =	vld [tilespmem:$0xC0];
	v24 =	vadd.s32 v62, v26;
	[tilespmem:$0x390] =	vst v27  }
0x81: {  	v48 =	vld [tilespmem:$0x120];
	v3 =	vadd.s32 v63, v3;
	[tilespmem:$0x380] =	vst v24  }
0x82: {  	v49 =	vld [tilespmem:$0xD0];
	v47 =	vadd.s32 v39, v13;
	[tilespmem:$0x240] =	vst v3  }
0x83: {  	v54 =	vld [tilespmem:$0x100];
	v1 =	vadd.s32 v42, v1;
	[tilespmem:$0x2A0] =	vst v47  }
0x84: {  	v55 =	vld [tilespmem:$0x90];
	v51 =	vadd.s32 v45, v6;
	[tilespmem:$0x230] =	vst v1  }
0x85: {  	v50 =	vld [tilespmem:$0x110];
	v53 =	vadd.s32 v46, v15;
	[tilespmem:$0x2B0] =	vst v51  }
0x86: {  	v32 =	vld [tilespmem:$0x50];
	v56 =	vadd.s32 v48, v18;
	[tilespmem:$0x2C0] =	vst v53  }
0x87: {  	v33 =	vld [tilespmem:$0x60];
	v57 =	vadd.s32 v49, v10;
	[tilespmem:$0x320] =	vst v56  }
0x88: {  	v61 =	vld [tilespmem:$0x10];
	v6 =	vadd.s32 v54, v16;
	[tilespmem:$0x2D0] =	vst v57  }
0x89: {  	v34 =	vld [tilespmem:$0x70];
	v2 =	vadd.s32 v55, v2;
	[tilespmem:$0x300] =	vst v6  }
0x8a: {  	v35 =	vld [tilespmem:$0x160];
	v3 =	vadd.s32 v50, v17;
	[tilespmem:$0x290] =	vst v2  }
0x8b: {  	v36 =	vld [tilespmem:$0x80];
	[tilespmem:$0x310] =	vst v3;
	v4 =	vadd.s32 v32, v4  }
0x8c: {  	v37 =	vld [tilespmem:$0x150];
	v38 =	vadd.s32 v33, v12;
	[tilespmem:$0x250] =	vst v4  }
0x8d: {  	v41 =	vld [tilespmem:$0x140];
	v0 =	vadd.s32 v61, v0;
	[tilespmem:$0x260] =	vst v38  }
0x8e: {  	v52 =	vld [tilespmem:$0xE0];
	v40 =	vadd.s32 v34, v9;
	[tilespmem:$0x210] =	vst v0  }
0x8f: {  	v58 =	vld [tilespmem:$0xF0];
	v43 =	vadd.s32 v35, v23;
	[tilespmem:$0x270] =	vst v40  }
0x90: {  	v59 =	vld [tilespmem:$0x1A0];
	v44 =	vadd.s32 v36, v5;
	[tilespmem:$0x360] =	vst v43  }
0x91: {  	v60 =	vld [tilespmem:$0x1B0];
	v8 =	vadd.s32 v37, v20;
	[tilespmem:$0x280] =	vst v44  }
0x92: {  	v9 =	vadd.s32 v41, v19;
	[tilespmem:$0x350] =	vst v8  }
0x93: {  	v5 =	vadd.s32 v52, v7;
	[tilespmem:$0x340] =	vst v9  }
0x94: {  	v62 =	vadd.s32 v58, v11;
	[tilespmem:$0x2E0] =	vst v5  }
0x95: {  	v1 =	vadd.s32 v59, v22;
	[tilespmem:$0x2F0] =	vst v62  }
0x96: {  	v63 =	vadd.s32 v60, v21;
	[tilespmem:$0x3A0] =	vst v1  }
0x97: {  	[tilespmem:$0x3B0] =	vst v63  }
0x98: {  	[tilespmem:s6], [sflag:$0x1] =	stream.indirect.gather [hbm4b:s3+s7], $0x1, s8, s7, $0xb8;
	[tilespmem:$0x600] =	vst v63  }
0x99: {  	_ = 	snop  }
0x9a: {  	[tilespmem:s10], [sflag:$0x1] =	stream.indirect.gather [hbm4b:s3+s7], $0x1, s9, s7, $0xb8;
	[tilespmem:$0x600] =	vst v63  }
0x9b: {  	_ = 	snop  }
0x9c: {  	[tilespmem:s13], [sflag:$0x1] =	stream.indirect.gather [hbm4b:s3+s7], $0x1, s11, s7, $0xb8;
	[tilespmem:$0x600] =	vst v63  }
0x9d: {  	_ = 	snop  }
0x9e: {  	[tilespmem:s15], [sflag:$0x1] =	stream.indirect.gather [hbm4b:s3+s7], $0x1, s14, s7, $0xb8;
	[tilespmem:$0x600] =	vst v63  }
0x9f: {  	_ =	swait.ge [sflag:s12], $0x80  }
0xa0: {  	[sflag:s12] =	ssyncset.done $0x0  }
0xa1: {  	[sflag:s12] =	ssyncadd.s32 $0xFFFFFF80  }
0xa2: {  	_ =	swait.ge [sflag:s12], $0x80  }
0xa3: {  	[sflag:s12] =	ssyncset.done $0x0  }
0xa4: {  	[sflag:s12] =	ssyncadd.s32 $0xFFFFFF80  }
0xa5: {  	_ =	swait.ge [sflag:s12], $0x80  }
0xa6: {  	[sflag:s12] =	ssyncset.done $0x0  }
0xa7: {  	[sflag:s12] =	ssyncadd.s32 $0xFFFFFF80  }
0xa8: {  	_ =	swait.ge [sflag:s12], $0x80  }
0xa9: {  	[sflag:s12] =	ssyncset.done $0x0  }
0xaa: {  	[sflag:s12] =	ssyncadd.s32 $0xFFFFFF80  }
0xab: {  	[hbm4b:s5+s2] =	stream.linear.scatter [tilespmem:s6], [sflag:$0x2], $0x200, $0x38;
	[tilespmem:$0x600] =	vst v63  }
0xac: {  	_ =	swait.ge [sflag:s4], $0x200  }
0xad: {  	[sflag:s4] =	ssyncset.done $0x0  }
0xae: {  	[sflag:s4] =	ssyncadd.s32 $0xFFFFFE00  }
0xaf: {  	_ =	sfence.sel $0x180000  }
0xb0: {  	[bflag:$0x0] =	sbarrier.arrive $0xFFFF  }
0xb1: {  	p0 =	sne.s32 s0, $0x0;
	_ =	strace $0x90000047  }
0xb2: {  	s0 =	sadd.s32 @!p0 $0x100000, s1;
	[bflag:$0x2] =	sbarrier.arrive $0xFFFF  }
0xb3: {  	[sflag:s0] =	ssyncadd.tile.s32 @!p0 $0x1;
	_ =	shalt  }
.Lfunc_end2:
_tile_overlayer_lowered:
.L_overlay_start_2:
0xb4: {  	(tag) =	ssettag $0x2  }
0xb5: {  	s0 =	rddreg [dreg:$0x0];
	s2 =	stileid.u32  }
0xb6: {  	s1 =	rddreg [dreg:$0x1];
	p0 =	sne.s32 s2, $0x0  }
0xb7: {  	s3 =	rddreg [dreg:$0x2];
	[bflag:$0x3] =	sbarrier.arrive $0xFFFF;
	s2 =	simm.s32 @!p0 $0x1C02  }
0xb8: {  	[timem:s3], [sflag:s2] =	dma.local @!p0 [hbm:s0], s1  }
0xb9: {  	s0 =	simm.s32 @!p0 $0x2  }
0xba: {  	_ =	swait.ge @!p0 [sflag:s0], s1  }
0xbb: {  	s1 =	ssub.s32 @!p0 $0x0, s1;
	[sflag:s0] =	ssyncset.done @!p0 $0x0  }
0xbc: {  	[sflag:s0] =	ssyncadd.s32 @!p0 s1  }
0xbd: {  	[bflag:$0x3] =	sbarrier.arrive $0xFFFF  }
0xbe: {  	_ =	shalt  }

</sc_bundles>
